<compile_context>
chip_gen: v7x
topology: tpu7x:2x2x1
jax: 0.10.2.dev20260603
libtpu: 0.0.44.dev20260713+nightly
codegen_flags: <defaults>
</compile_context>

<pallas_src>
import functools

import jax
import jax.numpy as jnp
from jax import lax
from jax.experimental import pallas as pl
from jax.experimental.pallas import tpu as pltpu
from jax.experimental.pallas import tpu_sc as plsc

_N = 10000
_E = 320000
_D = 128

_NC = 2
_NS = 16
_NW = _NC * _NS
_K = 128
_CHUNKS = 80
_EPT = _K * _CHUNKS
_EPAD = _EPT * _NW
_NP = 10240
_RPT = _NP // _NS
_ZR = 16
_HC = _CHUNKS // 2

_sc_mesh = plsc.VectorSubcoreMesh(core_axis_name="c", subcore_axis_name="s")
_sc_params = pltpu.CompilerParams(use_tc_tiling_on_sc=False)


@functools.partial(
    pl.kernel,
    out_type=jax.ShapeDtypeStruct((_NC * _NP,), jnp.float32),
    mesh=_sc_mesh,
    compiler_params=_sc_params,
    scratch_types=[
        pltpu.VMEM((_CHUNKS, _K), jnp.int32),
        pltpu.VMEM((_K,), jnp.float32),
        pltpu.VMEM((_RPT,), jnp.float32),
        pltpu.VMEM_SHARED((_NP,), jnp.float32),
        pltpu.SemaphoreType.DMA,
        pltpu.SemaphoreType.DMA,
    ],
)
def _sc_degree(dst_hbm, ones_hbm, zcol_hbm, out_hbm, idx_d, ones_v, zcol_v,
               acc_sh, sem, sem_a):
    c = lax.axis_index("c")
    s = lax.axis_index("s")
    wid = s * _NC + c
    idx_load = pltpu.make_async_copy(dst_hbm.at[wid], idx_d, sem)
    idx_load.start()
    pltpu.sync_copy(ones_hbm, ones_v)
    pltpu.sync_copy(zcol_hbm, zcol_v)
    pltpu.sync_copy(zcol_v, acc_sh.at[pl.ds(s * _RPT, _RPT)])
    idx_load.wait()
    plsc.subcore_barrier()

    def astart(j, carry):
        pltpu.async_copy(ones_v, acc_sh.at[idx_d.at[j]], sem_a, add=True)
        return carry

    def adrain(j, carry):
        pltpu.make_async_copy(ones_v, acc_sh.at[idx_d.at[j]], sem_a).wait()
        return carry

    lax.fori_loop(0, _CHUNKS, astart, 0)
    lax.fori_loop(0, _CHUNKS, adrain, 0)
    plsc.subcore_barrier()
    pltpu.sync_copy(acc_sh.at[pl.ds(s * _RPT, _RPT)],
                    out_hbm.at[pl.ds(c * _NP + s * _RPT, _RPT)])


@functools.partial(
    pl.kernel,
    out_type=jax.ShapeDtypeStruct((_NC, _NP, _D), jnp.float32),
    mesh=_sc_mesh,
    compiler_params=_sc_params,
    scratch_types=[
        pltpu.VMEM((_HC, _K), jnp.int32),
        pltpu.VMEM((_HC, _K), jnp.int32),
        pltpu.VMEM((_K, _D), jnp.float32),
        pltpu.VMEM((_K, _D), jnp.float32),
        pltpu.VMEM((_ZR, _D), jnp.float32),
        pltpu.VMEM_SHARED((_NP, _D), jnp.float32),
        pltpu.SemaphoreType.DMA,
        pltpu.SemaphoreType.DMA,
        pltpu.SemaphoreType.DMA,
    ],
)
def _sc_scatter(g_hbm, src_hbm, dst_hbm, zrows_hbm, out_hbm,
                idx_s, idx_d, rows0, rows1, zbuf_v, acc_sh,
                sem_i, sem_g0, sem_g1):
    c = lax.axis_index("c")
    s = lax.axis_index("s")
    wid = s * _NC + c

    def load_idx(h):
        ls = pltpu.make_async_copy(src_hbm.at[wid, pl.ds(h * _HC, _HC)], idx_s, sem_i)
        ld = pltpu.make_async_copy(dst_hbm.at[wid, pl.ds(h * _HC, _HC)], idx_d, sem_i)
        ls.start()
        ld.start()
        return ls, ld

    ls, ld = load_idx(0)
    pltpu.sync_copy(zrows_hbm, zbuf_v)

    def zcopy(j):
        return pltpu.make_async_copy(
            zbuf_v, acc_sh.at[pl.ds(s * _RPT + j * _ZR, _ZR)], sem_g0)

    def zstart(j, carry):
        zcopy(j).start()
        return carry

    def zdrain(j, carry):
        zcopy(j).wait()
        return carry

    lax.fori_loop(0, _RPT // _ZR, zstart, 0)
    lax.fori_loop(0, _RPT // _ZR, zdrain, 0)
    ls.wait()
    ld.wait()
    plsc.subcore_barrier()

    def gather(j, buf, sem):
        return pltpu.make_async_copy(g_hbm.at[idx_s.at[j]], buf, sem)

    for h in range(2):
        gather(0, rows0, sem_g0).start()

        def body(i, carry):
            j0 = 2 * i
            j1 = 2 * i + 1
            gather(j0, rows0, sem_g0).wait()
            gather(j1, rows1, sem_g1).start()
            pltpu.sync_copy(rows0, acc_sh.at[idx_d.at[j0]], add=True)
            gather(j1, rows1, sem_g1).wait()

            @pl.when(i < _HC // 2 - 1)
            def _():
                gather(j0 + 2, rows0, sem_g0).start()

            pltpu.sync_copy(rows1, acc_sh.at[idx_d.at[j1]], add=True)
            return carry

        lax.fori_loop(0, _HC // 2, body, 0)
        if h == 0:
            ls, ld = load_idx(1)
            ls.wait()
            ld.wait()
    plsc.subcore_barrier()
    pltpu.sync_copy(acc_sh.at[pl.ds(s * _RPT, _RPT)],
                    out_hbm.at[c, pl.ds(s * _RPT, _RPT)])


def _tc1_body(x_ref, w1_ref, dis_ref, g_ref):
    h = jnp.dot(x_ref[...], w1_ref[...], preferred_element_type=jnp.float32)
    g_ref[...] = dis_ref[...] * h


def _tc2_body(p_ref, g1_ref, dis_ref, b1_ref, w2_ref, g2_ref):
    ssum = p_ref[0, :_N, :] + p_ref[1, :_N, :]
    dis = dis_ref[...]
    h1 = dis * (ssum + g1_ref[...]) + b1_ref[...]
    a = jax.nn.gelu(h1)
    h2 = jnp.dot(a, w2_ref[...], preferred_element_type=jnp.float32)
    g2_ref[...] = dis * h2


def _tc3_body(p_ref, g2_ref, dis_ref, b2_ref, out_ref):
    ssum = p_ref[0, :_N, :] + p_ref[1, :_N, :]
    out_ref[...] = dis_ref[...] * (ssum + g2_ref[...]) + b2_ref[...]


def kernel(x, edge_index, W1, b1, W2, b2):
    src = edge_index[0].astype(jnp.int32)
    dst = edge_index[1].astype(jnp.int32)
    npad = _EPAD - _E
    pad_i = jnp.arange(npad, dtype=jnp.int32)
    src_p = jnp.concatenate([src, pad_i]).reshape(_NW, _CHUNKS, _K)
    dst_p = jnp.concatenate([dst, _N + pad_i % (_NP - _N)]).reshape(_NW, _CHUNKS, _K)
    ones_k = jnp.ones((_K,), jnp.float32)
    zcol = jnp.zeros((_RPT,), jnp.float32)
    zrows = jnp.zeros((_ZR, _D), jnp.float32)

    deg2 = _sc_degree(dst_p, ones_k, zcol)
    deg = deg2[: _N] + deg2[_NP : _NP + _N] + 1.0
    dis = lax.rsqrt(deg)[:, None]

    g1 = pl.pallas_call(
        _tc1_body,
        out_shape=jax.ShapeDtypeStruct((_N, _D), jnp.float32),
    )(x, W1, dis)

    p1 = _sc_scatter(g1, src_p, dst_p, zrows)

    g2 = pl.pallas_call(
        _tc2_body,
        out_shape=jax.ShapeDtypeStruct((_N, _D), jnp.float32),
    )(p1, g1, dis, b1.reshape(1, _D), W2)

    p2 = _sc_scatter(g2, src_p, dst_p, zrows)

    out = pl.pallas_call(
        _tc3_body,
        out_shape=jax.ShapeDtypeStruct((_N, _D), jnp.float32),
    )(p2, g2, dis, b2.reshape(1, _D))

    return out

# --- scband reference (transcript-rebuilt; emitter-appended) ---
"""Pipeline reference for scband-gcn-841813590016 (READ-ONLY COPY).

The authoritative reference and input builder live on the scoring server;
editing this copy changes nothing except your own understanding.
"""

import jax, jax.numpy as jnp
import numpy as np

N_NODES = 10000
N_EDGES = 320000
D_IN = 128
D_HID = 128


def setup_inputs(seed: int = 0) -> dict:
    key = jax.random.key(seed)
    k_x, k_e, k_w1, k_w2 = jax.random.split(key, 4)
    x = jax.random.normal(k_x, (N_NODES, D_IN), dtype=jnp.float32)
    edge_index = jax.random.randint(k_e, (2, N_EDGES), 0, N_NODES, dtype=jnp.int64)
    # Glorot-style init for GCNConv linear weights
    s1 = (6.0 / (D_IN + D_HID)) ** 0.5
    W1 = jax.random.uniform(k_w1, (D_IN, D_HID), dtype=jnp.float32, minval=-s1, maxval=s1)
    b1 = jnp.zeros((D_HID,), dtype=jnp.float32)
    s2 = (6.0 / (D_HID + D_HID)) ** 0.5
    W2 = jax.random.uniform(k_w2, (D_HID, D_HID), dtype=jnp.float32, minval=-s2, maxval=s2)
    b2 = jnp.zeros((D_HID,), dtype=jnp.float32)
    return {"x": x, "edge_index": edge_index, "W1": W1, "b1": b1, "W2": W2, "b2": b2}


def _gcn_conv(x, src, dst, W, b, n_nodes):
    # GCNConv: x' = D^{-1/2} (A + I) D^{-1/2} (x W) + b
    h = x @ W
    loop = jnp.arange(n_nodes, dtype=src.dtype)
    src_f = jnp.concatenate([src, loop])
    dst_f = jnp.concatenate([dst, loop])
    ones = jnp.ones(src_f.shape[0], dtype=h.dtype)
    deg = jax.ops.segment_sum(ones, dst_f, num_segments=n_nodes)
    deg_inv_sqrt = jnp.where(deg > 0, deg ** -0.5, 0.0)
    norm = deg_inv_sqrt[src_f] * deg_inv_sqrt[dst_f]
    msgs = h[src_f] * norm[:, None]
    out = jax.ops.segment_sum(msgs, dst_f, num_segments=n_nodes)
    return out + b


def reference(x, edge_index, W1, b1, W2, b2):
    src = edge_index[0]
    dst = edge_index[1]
    h = _gcn_conv(x, src, dst, W1, b1, N_NODES)
    h = jax.nn.gelu(h)
    out = _gcn_conv(h, src, dst, W2, b2, N_NODES)
    return out

if __name__ == "__main__":
    import jax
    _d = setup_inputs()
    print(jax.jit(kernel)(*tuple(_d.values())))

</pallas_src>

<mosaic_0001>
#map = affine_map<(d0, d1) -> (0, 0, 0)>
#map1 = affine_map<(d0, d1) -> (0)>
module attributes {stable_mosaic.version = 14 : i64} {
  func.func @_sc_degree(%arg0: i32, %arg1: i32, %arg2: memref<32x80x128xi32, #tpu.memory_space<hbm>>, %arg3: memref<128xf32, #tpu.memory_space<hbm>>, %arg4: memref<640xf32, #tpu.memory_space<hbm>>, %arg5: memref<20480xf32, #tpu.memory_space<hbm>>, %arg6: memref<80x128xi32, #tpu.memory_space<vmem>>, %arg7: memref<128xf32, #tpu.memory_space<vmem>>, %arg8: memref<640xf32, #tpu.memory_space<vmem>>, %arg9: memref<10240xf32, #tpu.memory_space<vmem_shared>>, %arg10: memref<!tpu.dma_semaphore, #tpu.memory_space<semaphore_mem>>, %arg11: memref<!tpu.dma_semaphore, #tpu.memory_space<semaphore_mem>>) attributes {dimension_semantics = [#tpu.dimension_semantics<core_parallel>, #tpu.dimension_semantics<subcore_parallel>], iteration_bounds = array<i64: 2, 16>, scalar_prefetch = 0 : i64, scratch_operands = 6 : i64, tpu.core_type = #tpu.core_type<sc_vector_subcore>, window_params = [{transform_indices = #map}, {transform_indices = #map1}, {transform_indices = #map1}, {transform_indices = #map1}]} {
    %mul3A = arith.constant 2 : i32
    %mul3A_0 = arith.muli %arg1, %mul3A : i32
    %add3A = arith.addi %mul3A_0, %arg0 : i32
    %dma_start3A = arith.constant 0 : i32
    %dma_start3A_1 = arith.constant 0 : i32
    %dma_start3A_2 = tpu.memref_slice %arg2[%add3A, %dma_start3A, %dma_start3A_1] : memref<32x80x128xi32, #tpu.memory_space<hbm>> -> memref<1x80x128xi32, #tpu.memory_space<hbm>>
    %dma_start3A_3 = tpu.memref_squeeze %dma_start3A_2 : memref<1x80x128xi32, #tpu.memory_space<hbm>> -> memref<80x128xi32, #tpu.memory_space<hbm>>
    %dma_start3A_4 = arith.constant 0 : i32
    %dma_start3A_5 = arith.constant 0 : i32
    %dma_start3A_6 = tpu.memref_slice %arg2[%add3A, %dma_start3A_4, %dma_start3A_5] : memref<32x80x128xi32, #tpu.memory_space<hbm>> -> memref<1x80x128xi32, #tpu.memory_space<hbm>>
    %dma_start3A_7 = tpu.memref_squeeze %dma_start3A_6 : memref<1x80x128xi32, #tpu.memory_space<hbm>> -> memref<80x128xi32, #tpu.memory_space<hbm>>
    tpu.enqueue_dma source(%dma_start3A_7 : memref<80x128xi32, #tpu.memory_space<hbm>>) target(%arg6 : memref<80x128xi32, #tpu.memory_space<vmem>>) target_semaphore(%arg10 : memref<!tpu.dma_semaphore, #tpu.memory_space<semaphore_mem>>)
    "tpu.region"() ({
      %run_scoped3A = tpu.sem_alloc : memref<!tpu.dma_semaphore, #tpu.memory_space<semaphore_mem>>
      tpu.enqueue_dma source(%arg3 : memref<128xf32, #tpu.memory_space<hbm>>) target(%arg7 : memref<128xf32, #tpu.memory_space<vmem>>) target_semaphore(%run_scoped3A : memref<!tpu.dma_semaphore, #tpu.memory_space<semaphore_mem>>)
      tpu.wait_dma2 semaphore(%run_scoped3A : memref<!tpu.dma_semaphore, #tpu.memory_space<semaphore_mem>>) src(%arg3 : memref<128xf32, #tpu.memory_space<hbm>>) dst(%arg7 : memref<128xf32, #tpu.memory_space<vmem>>)
      tpu.yield
    }) : () -> ()
    "tpu.region"() ({
      %run_scoped3A = tpu.sem_alloc : memref<!tpu.dma_semaphore, #tpu.memory_space<semaphore_mem>>
      tpu.enqueue_dma source(%arg4 : memref<640xf32, #tpu.memory_space<hbm>>) target(%arg8 : memref<640xf32, #tpu.memory_space<vmem>>) target_semaphore(%run_scoped3A : memref<!tpu.dma_semaphore, #tpu.memory_space<semaphore_mem>>)
      tpu.wait_dma2 semaphore(%run_scoped3A : memref<!tpu.dma_semaphore, #tpu.memory_space<semaphore_mem>>) src(%arg4 : memref<640xf32, #tpu.memory_space<hbm>>) dst(%arg8 : memref<640xf32, #tpu.memory_space<vmem>>)
      tpu.yield
    }) : () -> ()
    %mul3A_8 = arith.constant 640 : i32
    %mul3A_9 = arith.muli %arg1, %mul3A_8 : i32
    "tpu.region"() ({
      %run_scoped3A = tpu.sem_alloc : memref<!tpu.dma_semaphore, #tpu.memory_space<semaphore_mem>>
      %dma_start3A_36 = tpu.memref_slice %arg9[%mul3A_9] : memref<10240xf32, #tpu.memory_space<vmem_shared>> -> memref<640xf32, #tpu.memory_space<vmem_shared>>
      %dma_start3A_37 = tpu.memref_slice %arg9[%mul3A_9] : memref<10240xf32, #tpu.memory_space<vmem_shared>> -> memref<640xf32, #tpu.memory_space<vmem_shared>>
      tpu.enqueue_dma source(%arg8 : memref<640xf32, #tpu.memory_space<vmem>>) target(%dma_start3A_37 : memref<640xf32, #tpu.memory_space<vmem_shared>>) target_semaphore(%run_scoped3A : memref<!tpu.dma_semaphore, #tpu.memory_space<semaphore_mem>>)
      %dma_wait3A_38 = tpu.memref_slice %arg9[%mul3A_9] : memref<10240xf32, #tpu.memory_space<vmem_shared>> -> memref<640xf32, #tpu.memory_space<vmem_shared>>
      %dma_wait3A_39 = tpu.memref_slice %arg9[%mul3A_9] : memref<10240xf32, #tpu.memory_space<vmem_shared>> -> memref<640xf32, #tpu.memory_space<vmem_shared>>
      tpu.wait_dma2 semaphore(%run_scoped3A : memref<!tpu.dma_semaphore, #tpu.memory_space<semaphore_mem>>) src(%arg8 : memref<640xf32, #tpu.memory_space<vmem>>) dst(%dma_wait3A_39 : memref<640xf32, #tpu.memory_space<vmem_shared>>)
      tpu.yield
    }) : () -> ()
    %dma_wait3A = arith.constant 0 : i32
    %dma_wait3A_10 = arith.constant 0 : i32
    %dma_wait3A_11 = tpu.memref_slice %arg2[%add3A, %dma_wait3A, %dma_wait3A_10] : memref<32x80x128xi32, #tpu.memory_space<hbm>> -> memref<1x80x128xi32, #tpu.memory_space<hbm>>
    %dma_wait3A_12 = tpu.memref_squeeze %dma_wait3A_11 : memref<1x80x128xi32, #tpu.memory_space<hbm>> -> memref<80x128xi32, #tpu.memory_space<hbm>>
    %dma_wait3A_13 = arith.constant 0 : i32
    %dma_wait3A_14 = arith.constant 0 : i32
    %dma_wait3A_15 = tpu.memref_slice %arg2[%add3A, %dma_wait3A_13, %dma_wait3A_14] : memref<32x80x128xi32, #tpu.memory_space<hbm>> -> memref<1x80x128xi32, #tpu.memory_space<hbm>>
    %dma_wait3A_16 = tpu.memref_squeeze %dma_wait3A_15 : memref<1x80x128xi32, #tpu.memory_space<hbm>> -> memref<80x128xi32, #tpu.memory_space<hbm>>
    tpu.wait_dma2 semaphore(%arg10 : memref<!tpu.dma_semaphore, #tpu.memory_space<semaphore_mem>>) src(%dma_wait3A_16 : memref<80x128xi32, #tpu.memory_space<hbm>>) dst(%arg6 : memref<80x128xi32, #tpu.memory_space<vmem>>)
    %barrier3A = arith.constant 0 : index
    tpu.barrier barrier_id(%barrier3A)
    %scan3A = arith.constant 0 : i32
    %scan3A_17 = arith.constant 0 : i32
    %scan3A_18 = arith.constant 80 : i32
    %scan3A_19 = arith.addi %scan3A_17, %scan3A_18 : i32
    %scan3A_20 = arith.constant 1 : i32
    scf.for %scan3A_36 = %scan3A_17 to %scan3A_19 step %scan3A_20  : i32 {
      %dma_start3A_37 = arith.constant 0 : i32
      %dma_start3A_38 = tpu.memref_slice %arg6[%scan3A_36, %dma_start3A_37] : memref<80x128xi32, #tpu.memory_space<vmem>> -> memref<1x128xi32, #tpu.memory_space<vmem>>
      %dma_start3A_39 = tpu.memref_squeeze %dma_start3A_38 : memref<1x128xi32, #tpu.memory_space<vmem>> -> memref<128xi32, #tpu.memory_space<vmem>>
      %dma_start3A_40 = arith.constant 0 : i32
      %dma_start3A_41 = tpu.memref_slice %arg9[%dma_start3A_40] : memref<10240xf32, #tpu.memory_space<vmem_shared>> -> memref<10240xf32, #tpu.memory_space<vmem_shared>>
      tpu.enqueue_indirect_dma source(%arg7 : memref<128xf32, #tpu.memory_space<vmem>>) target(%dma_start3A_41 : memref<10240xf32, #tpu.memory_space<vmem_shared>>) offsets(%dma_start3A_39 : memref<128xi32, #tpu.memory_space<vmem>>) semaphore(%arg11 : memref<!tpu.dma_semaphore, #tpu.memory_space<semaphore_mem>>) {add = true}
    }
    %scan3A_21 = arith.constant 80 : i32
    %scan3A_22 = arith.constant 0 : i32
    %scan3A_23 = arith.constant 0 : i32
    %scan3A_24 = arith.constant 80 : i32
    %scan3A_25 = arith.addi %scan3A_23, %scan3A_24 : i32
    %scan3A_26 = arith.constant 1 : i32
    scf.for %scan3A_36 = %scan3A_23 to %scan3A_25 step %scan3A_26  : i32 {
      %dma_wait3A_37 = arith.constant 0 : i32
      %dma_wait3A_38 = tpu.memref_slice %arg6[%scan3A_36, %dma_wait3A_37] : memref<80x128xi32, #tpu.memory_space<vmem>> -> memref<1x128xi32, #tpu.memory_space<vmem>>
      %dma_wait3A_39 = tpu.memref_squeeze %dma_wait3A_38 : memref<1x128xi32, #tpu.memory_space<vmem>> -> memref<128xi32, #tpu.memory_space<vmem>>
      %dma_wait3A_40 = arith.constant 0 : i32
      %dma_wait3A_41 = tpu.memref_slice %arg9[%dma_wait3A_40] : memref<10240xf32, #tpu.memory_space<vmem_shared>> -> memref<10240xf32, #tpu.memory_space<vmem_shared>>
      tpu.wait_indirect_dma semaphore(%arg11 : memref<!tpu.dma_semaphore, #tpu.memory_space<semaphore_mem>>) src(%arg7 : memref<128xf32, #tpu.memory_space<vmem>>) dst(%dma_wait3A_41 : memref<10240xf32, #tpu.memory_space<vmem_shared>>)
    }
    %scan3A_27 = arith.constant 80 : i32
    %barrier3A_28 = arith.constant 0 : index
    tpu.barrier barrier_id(%barrier3A_28)
    %mul3A_29 = arith.constant 640 : i32
    %mul3A_30 = arith.muli %arg1, %mul3A_29 : i32
    %mul3A_31 = arith.constant 10240 : i32
    %mul3A_32 = arith.muli %arg0, %mul3A_31 : i32
    %mul3A_33 = arith.constant 640 : i32
    %mul3A_34 = arith.muli %arg1, %mul3A_33 : i32
    %add3A_35 = arith.addi %mul3A_32, %mul3A_34 : i32
    "tpu.region"() ({
      %run_scoped3A = tpu.sem_alloc : memref<!tpu.dma_semaphore, #tpu.memory_space<semaphore_mem>>
      %dma_start3A_36 = tpu.memref_slice %arg5[%add3A_35] : memref<20480xf32, #tpu.memory_space<hbm>> -> memref<640xf32, #tpu.memory_space<hbm>>
      %dma_start3A_37 = tpu.memref_slice %arg9[%mul3A_30] : memref<10240xf32, #tpu.memory_space<vmem_shared>> -> memref<640xf32, #tpu.memory_space<vmem_shared>>
      tpu.enqueue_dma source(%dma_start3A_37 : memref<640xf32, #tpu.memory_space<vmem_shared>>) target(%dma_start3A_36 : memref<640xf32, #tpu.memory_space<hbm>>) target_semaphore(%run_scoped3A : memref<!tpu.dma_semaphore, #tpu.memory_space<semaphore_mem>>)
      %dma_wait3A_38 = tpu.memref_slice %arg5[%add3A_35] : memref<20480xf32, #tpu.memory_space<hbm>> -> memref<640xf32, #tpu.memory_space<hbm>>
      %dma_wait3A_39 = tpu.memref_slice %arg9[%mul3A_30] : memref<10240xf32, #tpu.memory_space<vmem_shared>> -> memref<640xf32, #tpu.memory_space<vmem_shared>>
      tpu.wait_dma2 semaphore(%run_scoped3A : memref<!tpu.dma_semaphore, #tpu.memory_space<semaphore_mem>>) src(%dma_wait3A_39 : memref<640xf32, #tpu.memory_space<vmem_shared>>) dst(%dma_wait3A_38 : memref<640xf32, #tpu.memory_space<hbm>>)
      tpu.yield
    }) : () -> ()
    return
  }
}

#map = affine_map<(d0, d1) -> (0, 0)>
#map1 = affine_map<(d0, d1) -> (0, 0, 0)>
module attributes {stable_mosaic.version = 14 : i64} {
  func.func @_sc_scatter(%arg0: i32, %arg1: i32, %arg2: memref<10000x128xf32, #tpu.memory_space<hbm>>, %arg3: memref<32x80x128xi32, #tpu.memory_space<hbm>>, %arg4: memref<32x80x128xi32, #tpu.memory_space<hbm>>, %arg5: memref<16x128xf32, #tpu.memory_space<hbm>>, %arg6: memref<2x10240x128xf32, #tpu.memory_space<hbm>>, %arg7: memref<40x128xi32, #tpu.memory_space<vmem>>, %arg8: memref<40x128xi32, #tpu.memory_space<vmem>>, %arg9: memref<128x128xf32, #tpu.memory_space<vmem>>, %arg10: memref<128x128xf32, #tpu.memory_space<vmem>>, %arg11: memref<16x128xf32, #tpu.memory_space<vmem>>, %arg12: memref<10240x128xf32, #tpu.memory_space<vmem_shared>>, %arg13: memref<!tpu.dma_semaphore, #tpu.memory_space<semaphore_mem>>, %arg14: memref<!tpu.dma_semaphore, #tpu.memory_space<semaphore_mem>>, %arg15: memref<!tpu.dma_semaphore, #tpu.memory_space<semaphore_mem>>) attributes {dimension_semantics = [#tpu.dimension_semantics<core_parallel>, #tpu.dimension_semantics<subcore_parallel>], iteration_bounds = array<i64: 2, 16>, scalar_prefetch = 0 : i64, scratch_operands = 9 : i64, tpu.core_type = #tpu.core_type<sc_vector_subcore>, window_params = [{transform_indices = #map}, {transform_indices = #map1}, {transform_indices = #map1}, {transform_indices = #map}, {transform_indices = #map1}]} {
    %mul3A = arith.constant 2 : i32
    %mul3A_0 = arith.muli %arg1, %mul3A : i32
    %add3A = arith.addi %mul3A_0, %arg0 : i32
    %dma_start3A = arith.constant 0 : i32
    %dma_start3A_1 = arith.constant 0 : i32
    %dma_start3A_2 = tpu.memref_slice %arg3[%add3A, %dma_start3A, %dma_start3A_1] : memref<32x80x128xi32, #tpu.memory_space<hbm>> -> memref<1x40x128xi32, #tpu.memory_space<hbm>>
    %dma_start3A_3 = tpu.memref_squeeze %dma_start3A_2 : memref<1x40x128xi32, #tpu.memory_space<hbm>> -> memref<40x128xi32, #tpu.memory_space<hbm>>
    %dma_start3A_4 = arith.constant 0 : i32
    %dma_start3A_5 = arith.constant 0 : i32
    %dma_start3A_6 = tpu.memref_slice %arg3[%add3A, %dma_start3A_4, %dma_start3A_5] : memref<32x80x128xi32, #tpu.memory_space<hbm>> -> memref<1x40x128xi32, #tpu.memory_space<hbm>>
    %dma_start3A_7 = tpu.memref_squeeze %dma_start3A_6 : memref<1x40x128xi32, #tpu.memory_space<hbm>> -> memref<40x128xi32, #tpu.memory_space<hbm>>
    tpu.enqueue_dma source(%dma_start3A_7 : memref<40x128xi32, #tpu.memory_space<hbm>>) target(%arg7 : memref<40x128xi32, #tpu.memory_space<vmem>>) target_semaphore(%arg13 : memref<!tpu.dma_semaphore, #tpu.memory_space<semaphore_mem>>)
    %dma_start3A_8 = arith.constant 0 : i32
    %dma_start3A_9 = arith.constant 0 : i32
    %dma_start3A_10 = tpu.memref_slice %arg4[%add3A, %dma_start3A_8, %dma_start3A_9] : memref<32x80x128xi32, #tpu.memory_space<hbm>> -> memref<1x40x128xi32, #tpu.memory_space<hbm>>
    %dma_start3A_11 = tpu.memref_squeeze %dma_start3A_10 : memref<1x40x128xi32, #tpu.memory_space<hbm>> -> memref<40x128xi32, #tpu.memory_space<hbm>>
    %dma_start3A_12 = arith.constant 0 : i32
    %dma_start3A_13 = arith.constant 0 : i32
    %dma_start3A_14 = tpu.memref_slice %arg4[%add3A, %dma_start3A_12, %dma_start3A_13] : memref<32x80x128xi32, #tpu.memory_space<hbm>> -> memref<1x40x128xi32, #tpu.memory_space<hbm>>
    %dma_start3A_15 = tpu.memref_squeeze %dma_start3A_14 : memref<1x40x128xi32, #tpu.memory_space<hbm>> -> memref<40x128xi32, #tpu.memory_space<hbm>>
    tpu.enqueue_dma source(%dma_start3A_15 : memref<40x128xi32, #tpu.memory_space<hbm>>) target(%arg8 : memref<40x128xi32, #tpu.memory_space<vmem>>) target_semaphore(%arg13 : memref<!tpu.dma_semaphore, #tpu.memory_space<semaphore_mem>>)
    "tpu.region"() ({
      %run_scoped3A = tpu.sem_alloc : memref<!tpu.dma_semaphore, #tpu.memory_space<semaphore_mem>>
      tpu.enqueue_dma source(%arg5 : memref<16x128xf32, #tpu.memory_space<hbm>>) target(%arg11 : memref<16x128xf32, #tpu.memory_space<vmem>>) target_semaphore(%run_scoped3A : memref<!tpu.dma_semaphore, #tpu.memory_space<semaphore_mem>>)
      tpu.wait_dma2 semaphore(%run_scoped3A : memref<!tpu.dma_semaphore, #tpu.memory_space<semaphore_mem>>) src(%arg5 : memref<16x128xf32, #tpu.memory_space<hbm>>) dst(%arg11 : memref<16x128xf32, #tpu.memory_space<vmem>>)
      tpu.yield
    }) : () -> ()
    %scan3A = arith.constant 0 : i32
    %scan3A_16 = arith.constant 0 : i32
    %scan3A_17 = arith.constant 40 : i32
    %scan3A_18 = arith.addi %scan3A_16, %scan3A_17 : i32
    %scan3A_19 = arith.constant 1 : i32
    scf.for %scan3A_105 = %scan3A_16 to %scan3A_18 step %scan3A_19  : i32 {
      %mul3A_106 = arith.constant 640 : i32
      %mul3A_107 = arith.muli %arg1, %mul3A_106 : i32
      %mul3A_108 = arith.constant 16 : i32
      %mul3A_109 = arith.muli %scan3A_105, %mul3A_108 : i32
      %add3A_110 = arith.addi %mul3A_107, %mul3A_109 : i32
      %dma_start3A_111 = arith.constant 0 : i32
      %dma_start3A_112 = tpu.memref_slice %arg12[%add3A_110, %dma_start3A_111] : memref<10240x128xf32, #tpu.memory_space<vmem_shared>> -> memref<16x128xf32, #tpu.memory_space<vmem_shared>>
      %dma_start3A_113 = arith.constant 0 : i32
      %dma_start3A_114 = tpu.memref_slice %arg12[%add3A_110, %dma_start3A_113] : memref<10240x128xf32, #tpu.memory_space<vmem_shared>> -> memref<16x128xf32, #tpu.memory_space<vmem_shared>>
      tpu.enqueue_dma source(%arg11 : memref<16x128xf32, #tpu.memory_space<vmem>>) target(%dma_start3A_114 : memref<16x128xf32, #tpu.memory_space<vmem_shared>>) target_semaphore(%arg14 : memref<!tpu.dma_semaphore, #tpu.memory_space<semaphore_mem>>)
    }
    %scan3A_20 = arith.constant 40 : i32
    %scan3A_21 = arith.constant 0 : i32
    %scan3A_22 = arith.constant 0 : i32
    %scan3A_23 = arith.constant 40 : i32
    %scan3A_24 = arith.addi %scan3A_22, %scan3A_23 : i32
    %scan3A_25 = arith.constant 1 : i32
    scf.for %scan3A_105 = %scan3A_22 to %scan3A_24 step %scan3A_25  : i32 {
      %mul3A_106 = arith.constant 640 : i32
      %mul3A_107 = arith.muli %arg1, %mul3A_106 : i32
      %mul3A_108 = arith.constant 16 : i32
      %mul3A_109 = arith.muli %scan3A_105, %mul3A_108 : i32
      %add3A_110 = arith.addi %mul3A_107, %mul3A_109 : i32
      %dma_wait3A_111 = arith.constant 0 : i32
      %dma_wait3A_112 = tpu.memref_slice %arg12[%add3A_110, %dma_wait3A_111] : memref<10240x128xf32, #tpu.memory_space<vmem_shared>> -> memref<16x128xf32, #tpu.memory_space<vmem_shared>>
      %dma_wait3A_113 = arith.constant 0 : i32
      %dma_wait3A_114 = tpu.memref_slice %arg12[%add3A_110, %dma_wait3A_113] : memref<10240x128xf32, #tpu.memory_space<vmem_shared>> -> memref<16x128xf32, #tpu.memory_space<vmem_shared>>
      tpu.wait_dma2 semaphore(%arg14 : memref<!tpu.dma_semaphore, #tpu.memory_space<semaphore_mem>>) src(%arg11 : memref<16x128xf32, #tpu.memory_space<vmem>>) dst(%dma_wait3A_114 : memref<16x128xf32, #tpu.memory_space<vmem_shared>>)
    }
    %scan3A_26 = arith.constant 40 : i32
    %dma_wait3A = arith.constant 0 : i32
    %dma_wait3A_27 = arith.constant 0 : i32
    %dma_wait3A_28 = tpu.memref_slice %arg3[%add3A, %dma_wait3A, %dma_wait3A_27] : memref<32x80x128xi32, #tpu.memory_space<hbm>> -> memref<1x40x128xi32, #tpu.memory_space<hbm>>
    %dma_wait3A_29 = tpu.memref_squeeze %dma_wait3A_28 : memref<1x40x128xi32, #tpu.memory_space<hbm>> -> memref<40x128xi32, #tpu.memory_space<hbm>>
    %dma_wait3A_30 = arith.constant 0 : i32
    %dma_wait3A_31 = arith.constant 0 : i32
    %dma_wait3A_32 = tpu.memref_slice %arg3[%add3A, %dma_wait3A_30, %dma_wait3A_31] : memref<32x80x128xi32, #tpu.memory_space<hbm>> -> memref<1x40x128xi32, #tpu.memory_space<hbm>>
    %dma_wait3A_33 = tpu.memref_squeeze %dma_wait3A_32 : memref<1x40x128xi32, #tpu.memory_space<hbm>> -> memref<40x128xi32, #tpu.memory_space<hbm>>
    tpu.wait_dma2 semaphore(%arg13 : memref<!tpu.dma_semaphore, #tpu.memory_space<semaphore_mem>>) src(%dma_wait3A_33 : memref<40x128xi32, #tpu.memory_space<hbm>>) dst(%arg7 : memref<40x128xi32, #tpu.memory_space<vmem>>)
    %dma_wait3A_34 = arith.constant 0 : i32
    %dma_wait3A_35 = arith.constant 0 : i32
    %dma_wait3A_36 = tpu.memref_slice %arg4[%add3A, %dma_wait3A_34, %dma_wait3A_35] : memref<32x80x128xi32, #tpu.memory_space<hbm>> -> memref<1x40x128xi32, #tpu.memory_space<hbm>>
    %dma_wait3A_37 = tpu.memref_squeeze %dma_wait3A_36 : memref<1x40x128xi32, #tpu.memory_space<hbm>> -> memref<40x128xi32, #tpu.memory_space<hbm>>
    %dma_wait3A_38 = arith.constant 0 : i32
    %dma_wait3A_39 = arith.constant 0 : i32
    %dma_wait3A_40 = tpu.memref_slice %arg4[%add3A, %dma_wait3A_38, %dma_wait3A_39] : memref<32x80x128xi32, #tpu.memory_space<hbm>> -> memref<1x40x128xi32, #tpu.memory_space<hbm>>
    %dma_wait3A_41 = tpu.memref_squeeze %dma_wait3A_40 : memref<1x40x128xi32, #tpu.memory_space<hbm>> -> memref<40x128xi32, #tpu.memory_space<hbm>>
    tpu.wait_dma2 semaphore(%arg13 : memref<!tpu.dma_semaphore, #tpu.memory_space<semaphore_mem>>) src(%dma_wait3A_41 : memref<40x128xi32, #tpu.memory_space<hbm>>) dst(%arg8 : memref<40x128xi32, #tpu.memory_space<vmem>>)
    %barrier3A = arith.constant 0 : index
    tpu.barrier barrier_id(%barrier3A)
    %dma_start3A_42 = arith.constant 0 : i32
    %dma_start3A_43 = arith.constant 0 : i32
    %dma_start3A_44 = tpu.memref_slice %arg7[%dma_start3A_42, %dma_start3A_43] : memref<40x128xi32, #tpu.memory_space<vmem>> -> memref<1x128xi32, #tpu.memory_space<vmem>>
    %dma_start3A_45 = tpu.memref_squeeze %dma_start3A_44 : memref<1x128xi32, #tpu.memory_space<vmem>> -> memref<128xi32, #tpu.memory_space<vmem>>
    %dma_start3A_46 = arith.constant 0 : i32
    %dma_start3A_47 = arith.constant 0 : i32
    %dma_start3A_48 = tpu.memref_slice %arg2[%dma_start3A_46, %dma_start3A_47] : memref<10000x128xf32, #tpu.memory_space<hbm>> -> memref<10000x128xf32, #tpu.memory_space<hbm>>
    tpu.enqueue_indirect_dma source(%dma_start3A_48 : memref<10000x128xf32, #tpu.memory_space<hbm>>) target(%arg9 : memref<128x128xf32, #tpu.memory_space<vmem>>) offsets(%dma_start3A_45 : memref<128xi32, #tpu.memory_space<vmem>>) semaphore(%arg14 : memref<!tpu.dma_semaphore, #tpu.memory_space<semaphore_mem>>)
    %scan3A_49 = arith.constant 0 : i32
    %scan3A_50 = arith.constant 0 : i32
    %scan3A_51 = arith.constant 20 : i32
    %scan3A_52 = arith.addi %scan3A_50, %scan3A_51 : i32
    %scan3A_53 = arith.constant 1 : i32
    scf.for %scan3A_105 = %scan3A_50 to %scan3A_52 step %scan3A_53  : i32 {
      %mul3A_106 = arith.constant 2 : i32
      %mul3A_107 = arith.muli %mul3A_106, %scan3A_105 : i32
      %mul3A_108 = arith.constant 2 : i32
      %mul3A_109 = arith.muli %mul3A_108, %scan3A_105 : i32
      %add3A_110 = arith.constant 1 : i32
      %add3A_111 = arith.addi %mul3A_109, %add3A_110 : i32
      %dma_wait3A_112 = arith.constant 0 : i32
      %dma_wait3A_113 = tpu.memref_slice %arg7[%mul3A_107, %dma_wait3A_112] : memref<40x128xi32, #tpu.memory_space<vmem>> -> memref<1x128xi32, #tpu.memory_space<vmem>>
      %dma_wait3A_114 = tpu.memref_squeeze %dma_wait3A_113 : memref<1x128xi32, #tpu.memory_space<vmem>> -> memref<128xi32, #tpu.memory_space<vmem>>
      %dma_wait3A_115 = arith.constant 0 : i32
      %dma_wait3A_116 = arith.constant 0 : i32
      %dma_wait3A_117 = tpu.memref_slice %arg2[%dma_wait3A_115, %dma_wait3A_116] : memref<10000x128xf32, #tpu.memory_space<hbm>> -> memref<10000x128xf32, #tpu.memory_space<hbm>>
      tpu.wait_indirect_dma semaphore(%arg14 : memref<!tpu.dma_semaphore, #tpu.memory_space<semaphore_mem>>) src(%dma_wait3A_117 : memref<10000x128xf32, #tpu.memory_space<hbm>>) dst(%arg9 : memref<128x128xf32, #tpu.memory_space<vmem>>)
      %dma_start3A_118 = arith.constant 0 : i32
      %dma_start3A_119 = tpu.memref_slice %arg7[%add3A_111, %dma_start3A_118] : memref<40x128xi32, #tpu.memory_space<vmem>> -> memref<1x128xi32, #tpu.memory_space<vmem>>
      %dma_start3A_120 = tpu.memref_squeeze %dma_start3A_119 : memref<1x128xi32, #tpu.memory_space<vmem>> -> memref<128xi32, #tpu.memory_space<vmem>>
      %dma_start3A_121 = arith.constant 0 : i32
      %dma_start3A_122 = arith.constant 0 : i32
      %dma_start3A_123 = tpu.memref_slice %arg2[%dma_start3A_121, %dma_start3A_122] : memref<10000x128xf32, #tpu.memory_space<hbm>> -> memref<10000x128xf32, #tpu.memory_space<hbm>>
      tpu.enqueue_indirect_dma source(%dma_start3A_123 : memref<10000x128xf32, #tpu.memory_space<hbm>>) target(%arg10 : memref<128x128xf32, #tpu.memory_space<vmem>>) offsets(%dma_start3A_120 : memref<128xi32, #tpu.memory_space<vmem>>) semaphore(%arg15 : memref<!tpu.dma_semaphore, #tpu.memory_space<semaphore_mem>>)
      "tpu.region"() ({
        %run_scoped3A = tpu.sem_alloc : memref<!tpu.dma_semaphore, #tpu.memory_space<semaphore_mem>>
        %dma_start3A_132 = arith.constant 0 : i32
        %dma_start3A_133 = tpu.memref_slice %arg8[%mul3A_107, %dma_start3A_132] : memref<40x128xi32, #tpu.memory_space<vmem>> -> memref<1x128xi32, #tpu.memory_space<vmem>>
        %dma_start3A_134 = tpu.memref_squeeze %dma_start3A_133 : memref<1x128xi32, #tpu.memory_space<vmem>> -> memref<128xi32, #tpu.memory_space<vmem>>
        %dma_start3A_135 = arith.constant 0 : i32
        %dma_start3A_136 = arith.constant 0 : i32
        %dma_start3A_137 = tpu.memref_slice %arg12[%dma_start3A_135, %dma_start3A_136] : memref<10240x128xf32, #tpu.memory_space<vmem_shared>> -> memref<10240x128xf32, #tpu.memory_space<vmem_shared>>
        tpu.enqueue_indirect_dma source(%arg9 : memref<128x128xf32, #tpu.memory_space<vmem>>) target(%dma_start3A_137 : memref<10240x128xf32, #tpu.memory_space<vmem_shared>>) offsets(%dma_start3A_134 : memref<128xi32, #tpu.memory_space<vmem>>) semaphore(%run_scoped3A : memref<!tpu.dma_semaphore, #tpu.memory_space<semaphore_mem>>) {add = true}
        %dma_wait3A_138 = arith.constant 0 : i32
        %dma_wait3A_139 = tpu.memref_slice %arg8[%mul3A_107, %dma_wait3A_138] : memref<40x128xi32, #tpu.memory_space<vmem>> -> memref<1x128xi32, #tpu.memory_space<vmem>>
        %dma_wait3A_140 = tpu.memref_squeeze %dma_wait3A_139 : memref<1x128xi32, #tpu.memory_space<vmem>> -> memref<128xi32, #tpu.memory_space<vmem>>
        %dma_wait3A_141 = arith.constant 0 : i32
        %dma_wait3A_142 = arith.constant 0 : i32
        %dma_wait3A_143 = tpu.memref_slice %arg12[%dma_wait3A_141, %dma_wait3A_142] : memref<10240x128xf32, #tpu.memory_space<vmem_shared>> -> memref<10240x128xf32, #tpu.memory_space<vmem_shared>>
        tpu.wait_indirect_dma semaphore(%run_scoped3A : memref<!tpu.dma_semaphore, #tpu.memory_space<semaphore_mem>>) src(%arg9 : memref<128x128xf32, #tpu.memory_space<vmem>>) dst(%dma_wait3A_143 : memref<10240x128xf32, #tpu.memory_space<vmem_shared>>)
        tpu.yield
      }) : () -> ()
      %dma_wait3A_124 = arith.constant 0 : i32
      %dma_wait3A_125 = tpu.memref_slice %arg7[%add3A_111, %dma_wait3A_124] : memref<40x128xi32, #tpu.memory_space<vmem>> -> memref<1x128xi32, #tpu.memory_space<vmem>>
      %dma_wait3A_126 = tpu.memref_squeeze %dma_wait3A_125 : memref<1x128xi32, #tpu.memory_space<vmem>> -> memref<128xi32, #tpu.memory_space<vmem>>
      %dma_wait3A_127 = arith.constant 0 : i32
      %dma_wait3A_128 = arith.constant 0 : i32
      %dma_wait3A_129 = tpu.memref_slice %arg2[%dma_wait3A_127, %dma_wait3A_128] : memref<10000x128xf32, #tpu.memory_space<hbm>> -> memref<10000x128xf32, #tpu.memory_space<hbm>>
      tpu.wait_indirect_dma semaphore(%arg15 : memref<!tpu.dma_semaphore, #tpu.memory_space<semaphore_mem>>) src(%dma_wait3A_129 : memref<10000x128xf32, #tpu.memory_space<hbm>>) dst(%arg10 : memref<128x128xf32, #tpu.memory_space<vmem>>)
      %lt3A = arith.constant 19 : i32
      %lt3A_130 = arith.cmpi slt, %scan3A_105, %lt3A : i32
      %convert_element_type3A = arith.extui %lt3A_130 : i1 to i32
      %cond3A = arith.constant 0 : i32
      %cond3A_131 = arith.cmpi ne, %convert_element_type3A, %cond3A : i32
      scf.if %cond3A_131 {
        %add3A_132 = arith.constant 2 : i32
        %add3A_133 = arith.addi %mul3A_107, %add3A_132 : i32
        %dma_start3A_134 = arith.constant 0 : i32
        %dma_start3A_135 = tpu.memref_slice %arg7[%add3A_133, %dma_start3A_134] : memref<40x128xi32, #tpu.memory_space<vmem>> -> memref<1x128xi32, #tpu.memory_space<vmem>>
        %dma_start3A_136 = tpu.memref_squeeze %dma_start3A_135 : memref<1x128xi32, #tpu.memory_space<vmem>> -> memref<128xi32, #tpu.memory_space<vmem>>
        %dma_start3A_137 = arith.constant 0 : i32
        %dma_start3A_138 = arith.constant 0 : i32
        %dma_start3A_139 = tpu.memref_slice %arg2[%dma_start3A_137, %dma_start3A_138] : memref<10000x128xf32, #tpu.memory_space<hbm>> -> memref<10000x128xf32, #tpu.memory_space<hbm>>
        tpu.enqueue_indirect_dma source(%dma_start3A_139 : memref<10000x128xf32, #tpu.memory_space<hbm>>) target(%arg9 : memref<128x128xf32, #tpu.memory_space<vmem>>) offsets(%dma_start3A_136 : memref<128xi32, #tpu.memory_space<vmem>>) semaphore(%arg14 : memref<!tpu.dma_semaphore, #tpu.memory_space<semaphore_mem>>)
      } else {
      }
      "tpu.region"() ({
        %run_scoped3A = tpu.sem_alloc : memref<!tpu.dma_semaphore, #tpu.memory_space<semaphore_mem>>
        %dma_start3A_132 = arith.constant 0 : i32
        %dma_start3A_133 = tpu.memref_slice %arg8[%add3A_111, %dma_start3A_132] : memref<40x128xi32, #tpu.memory_space<vmem>> -> memref<1x128xi32, #tpu.memory_space<vmem>>
        %dma_start3A_134 = tpu.memref_squeeze %dma_start3A_133 : memref<1x128xi32, #tpu.memory_space<vmem>> -> memref<128xi32, #tpu.memory_space<vmem>>
        %dma_start3A_135 = arith.constant 0 : i32
        %dma_start3A_136 = arith.constant 0 : i32
        %dma_start3A_137 = tpu.memref_slice %arg12[%dma_start3A_135, %dma_start3A_136] : memref<10240x128xf32, #tpu.memory_space<vmem_shared>> -> memref<10240x128xf32, #tpu.memory_space<vmem_shared>>
        tpu.enqueue_indirect_dma source(%arg10 : memref<128x128xf32, #tpu.memory_space<vmem>>) target(%dma_start3A_137 : memref<10240x128xf32, #tpu.memory_space<vmem_shared>>) offsets(%dma_start3A_134 : memref<128xi32, #tpu.memory_space<vmem>>) semaphore(%run_scoped3A : memref<!tpu.dma_semaphore, #tpu.memory_space<semaphore_mem>>) {add = true}
        %dma_wait3A_138 = arith.constant 0 : i32
        %dma_wait3A_139 = tpu.memref_slice %arg8[%add3A_111, %dma_wait3A_138] : memref<40x128xi32, #tpu.memory_space<vmem>> -> memref<1x128xi32, #tpu.memory_space<vmem>>
        %dma_wait3A_140 = tpu.memref_squeeze %dma_wait3A_139 : memref<1x128xi32, #tpu.memory_space<vmem>> -> memref<128xi32, #tpu.memory_space<vmem>>
        %dma_wait3A_141 = arith.constant 0 : i32
        %dma_wait3A_142 = arith.constant 0 : i32
        %dma_wait3A_143 = tpu.memref_slice %arg12[%dma_wait3A_141, %dma_wait3A_142] : memref<10240x128xf32, #tpu.memory_space<vmem_shared>> -> memref<10240x128xf32, #tpu.memory_space<vmem_shared>>
        tpu.wait_indirect_dma semaphore(%run_scoped3A : memref<!tpu.dma_semaphore, #tpu.memory_space<semaphore_mem>>) src(%arg10 : memref<128x128xf32, #tpu.memory_space<vmem>>) dst(%dma_wait3A_143 : memref<10240x128xf32, #tpu.memory_space<vmem_shared>>)
        tpu.yield
      }) : () -> ()
    }
    %scan3A_54 = arith.constant 20 : i32
    %dma_start3A_55 = arith.constant 40 : i32
    %dma_start3A_56 = arith.constant 0 : i32
    %dma_start3A_57 = tpu.memref_slice %arg3[%add3A, %dma_start3A_55, %dma_start3A_56] : memref<32x80x128xi32, #tpu.memory_space<hbm>> -> memref<1x40x128xi32, #tpu.memory_space<hbm>>
    %dma_start3A_58 = tpu.memref_squeeze %dma_start3A_57 : memref<1x40x128xi32, #tpu.memory_space<hbm>> -> memref<40x128xi32, #tpu.memory_space<hbm>>
    %dma_start3A_59 = arith.constant 40 : i32
    %dma_start3A_60 = arith.constant 0 : i32
    %dma_start3A_61 = tpu.memref_slice %arg3[%add3A, %dma_start3A_59, %dma_start3A_60] : memref<32x80x128xi32, #tpu.memory_space<hbm>> -> memref<1x40x128xi32, #tpu.memory_space<hbm>>
    %dma_start3A_62 = tpu.memref_squeeze %dma_start3A_61 : memref<1x40x128xi32, #tpu.memory_space<hbm>> -> memref<40x128xi32, #tpu.memory_space<hbm>>
    tpu.enqueue_dma source(%dma_start3A_62 : memref<40x128xi32, #tpu.memory_space<hbm>>) target(%arg7 : memref<40x128xi32, #tpu.memory_space<vmem>>) target_semaphore(%arg13 : memref<!tpu.dma_semaphore, #tpu.memory_space<semaphore_mem>>)
    %dma_start3A_63 = arith.constant 40 : i32
    %dma_start3A_64 = arith.constant 0 : i32
    %dma_start3A_65 = tpu.memref_slice %arg4[%add3A, %dma_start3A_63, %dma_start3A_64] : memref<32x80x128xi32, #tpu.memory_space<hbm>> -> memref<1x40x128xi32, #tpu.memory_space<hbm>>
    %dma_start3A_66 = tpu.memref_squeeze %dma_start3A_65 : memref<1x40x128xi32, #tpu.memory_space<hbm>> -> memref<40x128xi32, #tpu.memory_space<hbm>>
    %dma_start3A_67 = arith.constant 40 : i32
    %dma_start3A_68 = arith.constant 0 : i32
    %dma_start3A_69 = tpu.memref_slice %arg4[%add3A, %dma_start3A_67, %dma_start3A_68] : memref<32x80x128xi32, #tpu.memory_space<hbm>> -> memref<1x40x128xi32, #tpu.memory_space<hbm>>
    %dma_start3A_70 = tpu.memref_squeeze %dma_start3A_69 : memref<1x40x128xi32, #tpu.memory_space<hbm>> -> memref<40x128xi32, #tpu.memory_space<hbm>>
    tpu.enqueue_dma source(%dma_start3A_70 : memref<40x128xi32, #tpu.memory_space<hbm>>) target(%arg8 : memref<40x128xi32, #tpu.memory_space<vmem>>) target_semaphore(%arg13 : memref<!tpu.dma_semaphore, #tpu.memory_space<semaphore_mem>>)
    %dma_wait3A_71 = arith.constant 40 : i32
    %dma_wait3A_72 = arith.constant 0 : i32
    %dma_wait3A_73 = tpu.memref_slice %arg3[%add3A, %dma_wait3A_71, %dma_wait3A_72] : memref<32x80x128xi32, #tpu.memory_space<hbm>> -> memref<1x40x128xi32, #tpu.memory_space<hbm>>
    %dma_wait3A_74 = tpu.memref_squeeze %dma_wait3A_73 : memref<1x40x128xi32, #tpu.memory_space<hbm>> -> memref<40x128xi32, #tpu.memory_space<hbm>>
    %dma_wait3A_75 = arith.constant 40 : i32
    %dma_wait3A_76 = arith.constant 0 : i32
    %dma_wait3A_77 = tpu.memref_slice %arg3[%add3A, %dma_wait3A_75, %dma_wait3A_76] : memref<32x80x128xi32, #tpu.memory_space<hbm>> -> memref<1x40x128xi32, #tpu.memory_space<hbm>>
    %dma_wait3A_78 = tpu.memref_squeeze %dma_wait3A_77 : memref<1x40x128xi32, #tpu.memory_space<hbm>> -> memref<40x128xi32, #tpu.memory_space<hbm>>
    tpu.wait_dma2 semaphore(%arg13 : memref<!tpu.dma_semaphore, #tpu.memory_space<semaphore_mem>>) src(%dma_wait3A_78 : memref<40x128xi32, #tpu.memory_space<hbm>>) dst(%arg7 : memref<40x128xi32, #tpu.memory_space<vmem>>)
    %dma_wait3A_79 = arith.constant 40 : i32
    %dma_wait3A_80 = arith.constant 0 : i32
    %dma_wait3A_81 = tpu.memref_slice %arg4[%add3A, %dma_wait3A_79, %dma_wait3A_80] : memref<32x80x128xi32, #tpu.memory_space<hbm>> -> memref<1x40x128xi32, #tpu.memory_space<hbm>>
    %dma_wait3A_82 = tpu.memref_squeeze %dma_wait3A_81 : memref<1x40x128xi32, #tpu.memory_space<hbm>> -> memref<40x128xi32, #tpu.memory_space<hbm>>
    %dma_wait3A_83 = arith.constant 40 : i32
    %dma_wait3A_84 = arith.constant 0 : i32
    %dma_wait3A_85 = tpu.memref_slice %arg4[%add3A, %dma_wait3A_83, %dma_wait3A_84] : memref<32x80x128xi32, #tpu.memory_space<hbm>> -> memref<1x40x128xi32, #tpu.memory_space<hbm>>
    %dma_wait3A_86 = tpu.memref_squeeze %dma_wait3A_85 : memref<1x40x128xi32, #tpu.memory_space<hbm>> -> memref<40x128xi32, #tpu.memory_space<hbm>>
    tpu.wait_dma2 semaphore(%arg13 : memref<!tpu.dma_semaphore, #tpu.memory_space<semaphore_mem>>) src(%dma_wait3A_86 : memref<40x128xi32, #tpu.memory_space<hbm>>) dst(%arg8 : memref<40x128xi32, #tpu.memory_space<vmem>>)
    %dma_start3A_87 = arith.constant 0 : i32
    %dma_start3A_88 = arith.constant 0 : i32
    %dma_start3A_89 = tpu.memref_slice %arg7[%dma_start3A_87, %dma_start3A_88] : memref<40x128xi32, #tpu.memory_space<vmem>> -> memref<1x128xi32, #tpu.memory_space<vmem>>
    %dma_start3A_90 = tpu.memref_squeeze %dma_start3A_89 : memref<1x128xi32, #tpu.memory_space<vmem>> -> memref<128xi32, #tpu.memory_space<vmem>>
    %dma_start3A_91 = arith.constant 0 : i32
    %dma_start3A_92 = arith.constant 0 : i32
    %dma_start3A_93 = tpu.memref_slice %arg2[%dma_start3A_91, %dma_start3A_92] : memref<10000x128xf32, #tpu.memory_space<hbm>> -> memref<10000x128xf32, #tpu.memory_space<hbm>>
    tpu.enqueue_indirect_dma source(%dma_start3A_93 : memref<10000x128xf32, #tpu.memory_space<hbm>>) target(%arg9 : memref<128x128xf32, #tpu.memory_space<vmem>>) offsets(%dma_start3A_90 : memref<128xi32, #tpu.memory_space<vmem>>) semaphore(%arg14 : memref<!tpu.dma_semaphore, #tpu.memory_space<semaphore_mem>>)
    %scan3A_94 = arith.constant 0 : i32
    %scan3A_95 = arith.constant 0 : i32
    %scan3A_96 = arith.constant 20 : i32
    %scan3A_97 = arith.addi %scan3A_95, %scan3A_96 : i32
    %scan3A_98 = arith.constant 1 : i32
    scf.for %scan3A_105 = %scan3A_95 to %scan3A_97 step %scan3A_98  : i32 {
      %mul3A_106 = arith.constant 2 : i32
      %mul3A_107 = arith.muli %mul3A_106, %scan3A_105 : i32
      %mul3A_108 = arith.constant 2 : i32
      %mul3A_109 = arith.muli %mul3A_108, %scan3A_105 : i32
      %add3A_110 = arith.constant 1 : i32
      %add3A_111 = arith.addi %mul3A_109, %add3A_110 : i32
      %dma_wait3A_112 = arith.constant 0 : i32
      %dma_wait3A_113 = tpu.memref_slice %arg7[%mul3A_107, %dma_wait3A_112] : memref<40x128xi32, #tpu.memory_space<vmem>> -> memref<1x128xi32, #tpu.memory_space<vmem>>
      %dma_wait3A_114 = tpu.memref_squeeze %dma_wait3A_113 : memref<1x128xi32, #tpu.memory_space<vmem>> -> memref<128xi32, #tpu.memory_space<vmem>>
      %dma_wait3A_115 = arith.constant 0 : i32
      %dma_wait3A_116 = arith.constant 0 : i32
      %dma_wait3A_117 = tpu.memref_slice %arg2[%dma_wait3A_115, %dma_wait3A_116] : memref<10000x128xf32, #tpu.memory_space<hbm>> -> memref<10000x128xf32, #tpu.memory_space<hbm>>
      tpu.wait_indirect_dma semaphore(%arg14 : memref<!tpu.dma_semaphore, #tpu.memory_space<semaphore_mem>>) src(%dma_wait3A_117 : memref<10000x128xf32, #tpu.memory_space<hbm>>) dst(%arg9 : memref<128x128xf32, #tpu.memory_space<vmem>>)
      %dma_start3A_118 = arith.constant 0 : i32
      %dma_start3A_119 = tpu.memref_slice %arg7[%add3A_111, %dma_start3A_118] : memref<40x128xi32, #tpu.memory_space<vmem>> -> memref<1x128xi32, #tpu.memory_space<vmem>>
      %dma_start3A_120 = tpu.memref_squeeze %dma_start3A_119 : memref<1x128xi32, #tpu.memory_space<vmem>> -> memref<128xi32, #tpu.memory_space<vmem>>
      %dma_start3A_121 = arith.constant 0 : i32
      %dma_start3A_122 = arith.constant 0 : i32
      %dma_start3A_123 = tpu.memref_slice %arg2[%dma_start3A_121, %dma_start3A_122] : memref<10000x128xf32, #tpu.memory_space<hbm>> -> memref<10000x128xf32, #tpu.memory_space<hbm>>
      tpu.enqueue_indirect_dma source(%dma_start3A_123 : memref<10000x128xf32, #tpu.memory_space<hbm>>) target(%arg10 : memref<128x128xf32, #tpu.memory_space<vmem>>) offsets(%dma_start3A_120 : memref<128xi32, #tpu.memory_space<vmem>>) semaphore(%arg15 : memref<!tpu.dma_semaphore, #tpu.memory_space<semaphore_mem>>)
      "tpu.region"() ({
        %run_scoped3A = tpu.sem_alloc : memref<!tpu.dma_semaphore, #tpu.memory_space<semaphore_mem>>
        %dma_start3A_132 = arith.constant 0 : i32
        %dma_start3A_133 = tpu.memref_slice %arg8[%mul3A_107, %dma_start3A_132] : memref<40x128xi32, #tpu.memory_space<vmem>> -> memref<1x128xi32, #tpu.memory_space<vmem>>
        %dma_start3A_134 = tpu.memref_squeeze %dma_start3A_133 : memref<1x128xi32, #tpu.memory_space<vmem>> -> memref<128xi32, #tpu.memory_space<vmem>>
        %dma_start3A_135 = arith.constant 0 : i32
        %dma_start3A_136 = arith.constant 0 : i32
        %dma_start3A_137 = tpu.memref_slice %arg12[%dma_start3A_135, %dma_start3A_136] : memref<10240x128xf32, #tpu.memory_space<vmem_shared>> -> memref<10240x128xf32, #tpu.memory_space<vmem_shared>>
        tpu.enqueue_indirect_dma source(%arg9 : memref<128x128xf32, #tpu.memory_space<vmem>>) target(%dma_start3A_137 : memref<10240x128xf32, #tpu.memory_space<vmem_shared>>) offsets(%dma_start3A_134 : memref<128xi32, #tpu.memory_space<vmem>>) semaphore(%run_scoped3A : memref<!tpu.dma_semaphore, #tpu.memory_space<semaphore_mem>>) {add = true}
        %dma_wait3A_138 = arith.constant 0 : i32
        %dma_wait3A_139 = tpu.memref_slice %arg8[%mul3A_107, %dma_wait3A_138] : memref<40x128xi32, #tpu.memory_space<vmem>> -> memref<1x128xi32, #tpu.memory_space<vmem>>
        %dma_wait3A_140 = tpu.memref_squeeze %dma_wait3A_139 : memref<1x128xi32, #tpu.memory_space<vmem>> -> memref<128xi32, #tpu.memory_space<vmem>>
        %dma_wait3A_141 = arith.constant 0 : i32
        %dma_wait3A_142 = arith.constant 0 : i32
        %dma_wait3A_143 = tpu.memref_slice %arg12[%dma_wait3A_141, %dma_wait3A_142] : memref<10240x128xf32, #tpu.memory_space<vmem_shared>> -> memref<10240x128xf32, #tpu.memory_space<vmem_shared>>
        tpu.wait_indirect_dma semaphore(%run_scoped3A : memref<!tpu.dma_semaphore, #tpu.memory_space<semaphore_mem>>) src(%arg9 : memref<128x128xf32, #tpu.memory_space<vmem>>) dst(%dma_wait3A_143 : memref<10240x128xf32, #tpu.memory_space<vmem_shared>>)
        tpu.yield
      }) : () -> ()
      %dma_wait3A_124 = arith.constant 0 : i32
      %dma_wait3A_125 = tpu.memref_slice %arg7[%add3A_111, %dma_wait3A_124] : memref<40x128xi32, #tpu.memory_space<vmem>> -> memref<1x128xi32, #tpu.memory_space<vmem>>
      %dma_wait3A_126 = tpu.memref_squeeze %dma_wait3A_125 : memref<1x128xi32, #tpu.memory_space<vmem>> -> memref<128xi32, #tpu.memory_space<vmem>>
      %dma_wait3A_127 = arith.constant 0 : i32
      %dma_wait3A_128 = arith.constant 0 : i32
      %dma_wait3A_129 = tpu.memref_slice %arg2[%dma_wait3A_127, %dma_wait3A_128] : memref<10000x128xf32, #tpu.memory_space<hbm>> -> memref<10000x128xf32, #tpu.memory_space<hbm>>
      tpu.wait_indirect_dma semaphore(%arg15 : memref<!tpu.dma_semaphore, #tpu.memory_space<semaphore_mem>>) src(%dma_wait3A_129 : memref<10000x128xf32, #tpu.memory_space<hbm>>) dst(%arg10 : memref<128x128xf32, #tpu.memory_space<vmem>>)
      %lt3A = arith.constant 19 : i32
      %lt3A_130 = arith.cmpi slt, %scan3A_105, %lt3A : i32
      %convert_element_type3A = arith.extui %lt3A_130 : i1 to i32
      %cond3A = arith.constant 0 : i32
      %cond3A_131 = arith.cmpi ne, %convert_element_type3A, %cond3A : i32
      scf.if %cond3A_131 {
        %add3A_132 = arith.constant 2 : i32
        %add3A_133 = arith.addi %mul3A_107, %add3A_132 : i32
        %dma_start3A_134 = arith.constant 0 : i32
        %dma_start3A_135 = tpu.memref_slice %arg7[%add3A_133, %dma_start3A_134] : memref<40x128xi32, #tpu.memory_space<vmem>> -> memref<1x128xi32, #tpu.memory_space<vmem>>
        %dma_start3A_136 = tpu.memref_squeeze %dma_start3A_135 : memref<1x128xi32, #tpu.memory_space<vmem>> -> memref<128xi32, #tpu.memory_space<vmem>>
        %dma_start3A_137 = arith.constant 0 : i32
        %dma_start3A_138 = arith.constant 0 : i32
        %dma_start3A_139 = tpu.memref_slice %arg2[%dma_start3A_137, %dma_start3A_138] : memref<10000x128xf32, #tpu.memory_space<hbm>> -> memref<10000x128xf32, #tpu.memory_space<hbm>>
        tpu.enqueue_indirect_dma source(%dma_start3A_139 : memref<10000x128xf32, #tpu.memory_space<hbm>>) target(%arg9 : memref<128x128xf32, #tpu.memory_space<vmem>>) offsets(%dma_start3A_136 : memref<128xi32, #tpu.memory_space<vmem>>) semaphore(%arg14 : memref<!tpu.dma_semaphore, #tpu.memory_space<semaphore_mem>>)
      } else {
      }
      "tpu.region"() ({
        %run_scoped3A = tpu.sem_alloc : memref<!tpu.dma_semaphore, #tpu.memory_space<semaphore_mem>>
        %dma_start3A_132 = arith.constant 0 : i32
        %dma_start3A_133 = tpu.memref_slice %arg8[%add3A_111, %dma_start3A_132] : memref<40x128xi32, #tpu.memory_space<vmem>> -> memref<1x128xi32, #tpu.memory_space<vmem>>
        %dma_start3A_134 = tpu.memref_squeeze %dma_start3A_133 : memref<1x128xi32, #tpu.memory_space<vmem>> -> memref<128xi32, #tpu.memory_space<vmem>>
        %dma_start3A_135 = arith.constant 0 : i32
        %dma_start3A_136 = arith.constant 0 : i32
        %dma_start3A_137 = tpu.memref_slice %arg12[%dma_start3A_135, %dma_start3A_136] : memref<10240x128xf32, #tpu.memory_space<vmem_shared>> -> memref<10240x128xf32, #tpu.memory_space<vmem_shared>>
        tpu.enqueue_indirect_dma source(%arg10 : memref<128x128xf32, #tpu.memory_space<vmem>>) target(%dma_start3A_137 : memref<10240x128xf32, #tpu.memory_space<vmem_shared>>) offsets(%dma_start3A_134 : memref<128xi32, #tpu.memory_space<vmem>>) semaphore(%run_scoped3A : memref<!tpu.dma_semaphore, #tpu.memory_space<semaphore_mem>>) {add = true}
        %dma_wait3A_138 = arith.constant 0 : i32
        %dma_wait3A_139 = tpu.memref_slice %arg8[%add3A_111, %dma_wait3A_138] : memref<40x128xi32, #tpu.memory_space<vmem>> -> memref<1x128xi32, #tpu.memory_space<vmem>>
        %dma_wait3A_140 = tpu.memref_squeeze %dma_wait3A_139 : memref<1x128xi32, #tpu.memory_space<vmem>> -> memref<128xi32, #tpu.memory_space<vmem>>
        %dma_wait3A_141 = arith.constant 0 : i32
        %dma_wait3A_142 = arith.constant 0 : i32
        %dma_wait3A_143 = tpu.memref_slice %arg12[%dma_wait3A_141, %dma_wait3A_142] : memref<10240x128xf32, #tpu.memory_space<vmem_shared>> -> memref<10240x128xf32, #tpu.memory_space<vmem_shared>>
        tpu.wait_indirect_dma semaphore(%run_scoped3A : memref<!tpu.dma_semaphore, #tpu.memory_space<semaphore_mem>>) src(%arg10 : memref<128x128xf32, #tpu.memory_space<vmem>>) dst(%dma_wait3A_143 : memref<10240x128xf32, #tpu.memory_space<vmem_shared>>)
        tpu.yield
      }) : () -> ()
    }
    %scan3A_99 = arith.constant 20 : i32
    %barrier3A_100 = arith.constant 0 : index
    tpu.barrier barrier_id(%barrier3A_100)
    %mul3A_101 = arith.constant 640 : i32
    %mul3A_102 = arith.muli %arg1, %mul3A_101 : i32
    %mul3A_103 = arith.constant 640 : i32
    %mul3A_104 = arith.muli %arg1, %mul3A_103 : i32
    "tpu.region"() ({
      %run_scoped3A = tpu.sem_alloc : memref<!tpu.dma_semaphore, #tpu.memory_space<semaphore_mem>>
      %dma_start3A_105 = arith.constant 0 : i32
      %dma_start3A_106 = tpu.memref_slice %arg6[%arg0, %mul3A_104, %dma_start3A_105] : memref<2x10240x128xf32, #tpu.memory_space<hbm>> -> memref<1x640x128xf32, #tpu.memory_space<hbm>>
      %dma_start3A_107 = tpu.memref_squeeze %dma_start3A_106 : memref<1x640x128xf32, #tpu.memory_space<hbm>> -> memref<640x128xf32, #tpu.memory_space<hbm>>
      %dma_start3A_108 = arith.constant 0 : i32
      %dma_start3A_109 = tpu.memref_slice %arg12[%mul3A_102, %dma_start3A_108] : memref<10240x128xf32, #tpu.memory_space<vmem_shared>> -> memref<640x128xf32, #tpu.memory_space<vmem_shared>>
      tpu.enqueue_dma source(%dma_start3A_109 : memref<640x128xf32, #tpu.memory_space<vmem_shared>>) target(%dma_start3A_107 : memref<640x128xf32, #tpu.memory_space<hbm>>) target_semaphore(%run_scoped3A : memref<!tpu.dma_semaphore, #tpu.memory_space<semaphore_mem>>)
      %dma_wait3A_110 = arith.constant 0 : i32
      %dma_wait3A_111 = tpu.memref_slice %arg6[%arg0, %mul3A_104, %dma_wait3A_110] : memref<2x10240x128xf32, #tpu.memory_space<hbm>> -> memref<1x640x128xf32, #tpu.memory_space<hbm>>
      %dma_wait3A_112 = tpu.memref_squeeze %dma_wait3A_111 : memref<1x640x128xf32, #tpu.memory_space<hbm>> -> memref<640x128xf32, #tpu.memory_space<hbm>>
      %dma_wait3A_113 = arith.constant 0 : i32
      %dma_wait3A_114 = tpu.memref_slice %arg12[%mul3A_102, %dma_wait3A_113] : memref<10240x128xf32, #tpu.memory_space<vmem_shared>> -> memref<640x128xf32, #tpu.memory_space<vmem_shared>>
      tpu.wait_dma2 semaphore(%run_scoped3A : memref<!tpu.dma_semaphore, #tpu.memory_space<semaphore_mem>>) src(%dma_wait3A_114 : memref<640x128xf32, #tpu.memory_space<vmem_shared>>) dst(%dma_wait3A_112 : memref<640x128xf32, #tpu.memory_space<hbm>>)
      tpu.yield
    }) : () -> ()
    return
  }
}

#map = affine_map<(d0, d1) -> (0, 0)>
#map1 = affine_map<(d0, d1) -> (0, 0, 0)>
module attributes {stable_mosaic.version = 14 : i64} {
  func.func @_sc_scatter(%arg0: i32, %arg1: i32, %arg2: memref<10000x128xf32, #tpu.memory_space<hbm>>, %arg3: memref<32x80x128xi32, #tpu.memory_space<hbm>>, %arg4: memref<32x80x128xi32, #tpu.memory_space<hbm>>, %arg5: memref<16x128xf32, #tpu.memory_space<hbm>>, %arg6: memref<2x10240x128xf32, #tpu.memory_space<hbm>>, %arg7: memref<40x128xi32, #tpu.memory_space<vmem>>, %arg8: memref<40x128xi32, #tpu.memory_space<vmem>>, %arg9: memref<128x128xf32, #tpu.memory_space<vmem>>, %arg10: memref<128x128xf32, #tpu.memory_space<vmem>>, %arg11: memref<16x128xf32, #tpu.memory_space<vmem>>, %arg12: memref<10240x128xf32, #tpu.memory_space<vmem_shared>>, %arg13: memref<!tpu.dma_semaphore, #tpu.memory_space<semaphore_mem>>, %arg14: memref<!tpu.dma_semaphore, #tpu.memory_space<semaphore_mem>>, %arg15: memref<!tpu.dma_semaphore, #tpu.memory_space<semaphore_mem>>) attributes {dimension_semantics = [#tpu.dimension_semantics<core_parallel>, #tpu.dimension_semantics<subcore_parallel>], iteration_bounds = array<i64: 2, 16>, scalar_prefetch = 0 : i64, scratch_operands = 9 : i64, tpu.core_type = #tpu.core_type<sc_vector_subcore>, window_params = [{transform_indices = #map}, {transform_indices = #map1}, {transform_indices = #map1}, {transform_indices = #map}, {transform_indices = #map1}]} {
    %mul3A = arith.constant 2 : i32
    %mul3A_0 = arith.muli %arg1, %mul3A : i32
    %add3A = arith.addi %mul3A_0, %arg0 : i32
    %dma_start3A = arith.constant 0 : i32
    %dma_start3A_1 = arith.constant 0 : i32
    %dma_start3A_2 = tpu.memref_slice %arg3[%add3A, %dma_start3A, %dma_start3A_1] : memref<32x80x128xi32, #tpu.memory_space<hbm>> -> memref<1x40x128xi32, #tpu.memory_space<hbm>>
    %dma_start3A_3 = tpu.memref_squeeze %dma_start3A_2 : memref<1x40x128xi32, #tpu.memory_space<hbm>> -> memref<40x128xi32, #tpu.memory_space<hbm>>
    %dma_start3A_4 = arith.constant 0 : i32
    %dma_start3A_5 = arith.constant 0 : i32
    %dma_start3A_6 = tpu.memref_slice %arg3[%add3A, %dma_start3A_4, %dma_start3A_5] : memref<32x80x128xi32, #tpu.memory_space<hbm>> -> memref<1x40x128xi32, #tpu.memory_space<hbm>>
    %dma_start3A_7 = tpu.memref_squeeze %dma_start3A_6 : memref<1x40x128xi32, #tpu.memory_space<hbm>> -> memref<40x128xi32, #tpu.memory_space<hbm>>
    tpu.enqueue_dma source(%dma_start3A_7 : memref<40x128xi32, #tpu.memory_space<hbm>>) target(%arg7 : memref<40x128xi32, #tpu.memory_space<vmem>>) target_semaphore(%arg13 : memref<!tpu.dma_semaphore, #tpu.memory_space<semaphore_mem>>)
    %dma_start3A_8 = arith.constant 0 : i32
    %dma_start3A_9 = arith.constant 0 : i32
    %dma_start3A_10 = tpu.memref_slice %arg4[%add3A, %dma_start3A_8, %dma_start3A_9] : memref<32x80x128xi32, #tpu.memory_space<hbm>> -> memref<1x40x128xi32, #tpu.memory_space<hbm>>
    %dma_start3A_11 = tpu.memref_squeeze %dma_start3A_10 : memref<1x40x128xi32, #tpu.memory_space<hbm>> -> memref<40x128xi32, #tpu.memory_space<hbm>>
    %dma_start3A_12 = arith.constant 0 : i32
    %dma_start3A_13 = arith.constant 0 : i32
    %dma_start3A_14 = tpu.memref_slice %arg4[%add3A, %dma_start3A_12, %dma_start3A_13] : memref<32x80x128xi32, #tpu.memory_space<hbm>> -> memref<1x40x128xi32, #tpu.memory_space<hbm>>
    %dma_start3A_15 = tpu.memref_squeeze %dma_start3A_14 : memref<1x40x128xi32, #tpu.memory_space<hbm>> -> memref<40x128xi32, #tpu.memory_space<hbm>>
    tpu.enqueue_dma source(%dma_start3A_15 : memref<40x128xi32, #tpu.memory_space<hbm>>) target(%arg8 : memref<40x128xi32, #tpu.memory_space<vmem>>) target_semaphore(%arg13 : memref<!tpu.dma_semaphore, #tpu.memory_space<semaphore_mem>>)
    "tpu.region"() ({
      %run_scoped3A = tpu.sem_alloc : memref<!tpu.dma_semaphore, #tpu.memory_space<semaphore_mem>>
      tpu.enqueue_dma source(%arg5 : memref<16x128xf32, #tpu.memory_space<hbm>>) target(%arg11 : memref<16x128xf32, #tpu.memory_space<vmem>>) target_semaphore(%run_scoped3A : memref<!tpu.dma_semaphore, #tpu.memory_space<semaphore_mem>>)
      tpu.wait_dma2 semaphore(%run_scoped3A : memref<!tpu.dma_semaphore, #tpu.memory_space<semaphore_mem>>) src(%arg5 : memref<16x128xf32, #tpu.memory_space<hbm>>) dst(%arg11 : memref<16x128xf32, #tpu.memory_space<vmem>>)
      tpu.yield
    }) : () -> ()
    %scan3A = arith.constant 0 : i32
    %scan3A_16 = arith.constant 0 : i32
    %scan3A_17 = arith.constant 40 : i32
    %scan3A_18 = arith.addi %scan3A_16, %scan3A_17 : i32
    %scan3A_19 = arith.constant 1 : i32
    scf.for %scan3A_105 = %scan3A_16 to %scan3A_18 step %scan3A_19  : i32 {
      %mul3A_106 = arith.constant 640 : i32
      %mul3A_107 = arith.muli %arg1, %mul3A_106 : i32
      %mul3A_108 = arith.constant 16 : i32
      %mul3A_109 = arith.muli %scan3A_105, %mul3A_108 : i32
      %add3A_110 = arith.addi %mul3A_107, %mul3A_109 : i32
      %dma_start3A_111 = arith.constant 0 : i32
      %dma_start3A_112 = tpu.memref_slice %arg12[%add3A_110, %dma_start3A_111] : memref<10240x128xf32, #tpu.memory_space<vmem_shared>> -> memref<16x128xf32, #tpu.memory_space<vmem_shared>>
      %dma_start3A_113 = arith.constant 0 : i32
      %dma_start3A_114 = tpu.memref_slice %arg12[%add3A_110, %dma_start3A_113] : memref<10240x128xf32, #tpu.memory_space<vmem_shared>> -> memref<16x128xf32, #tpu.memory_space<vmem_shared>>
      tpu.enqueue_dma source(%arg11 : memref<16x128xf32, #tpu.memory_space<vmem>>) target(%dma_start3A_114 : memref<16x128xf32, #tpu.memory_space<vmem_shared>>) target_semaphore(%arg14 : memref<!tpu.dma_semaphore, #tpu.memory_space<semaphore_mem>>)
    }
    %scan3A_20 = arith.constant 40 : i32
    %scan3A_21 = arith.constant 0 : i32
    %scan3A_22 = arith.constant 0 : i32
    %scan3A_23 = arith.constant 40 : i32
    %scan3A_24 = arith.addi %scan3A_22, %scan3A_23 : i32
    %scan3A_25 = arith.constant 1 : i32
    scf.for %scan3A_105 = %scan3A_22 to %scan3A_24 step %scan3A_25  : i32 {
      %mul3A_106 = arith.constant 640 : i32
      %mul3A_107 = arith.muli %arg1, %mul3A_106 : i32
      %mul3A_108 = arith.constant 16 : i32
      %mul3A_109 = arith.muli %scan3A_105, %mul3A_108 : i32
      %add3A_110 = arith.addi %mul3A_107, %mul3A_109 : i32
      %dma_wait3A_111 = arith.constant 0 : i32
      %dma_wait3A_112 = tpu.memref_slice %arg12[%add3A_110, %dma_wait3A_111] : memref<10240x128xf32, #tpu.memory_space<vmem_shared>> -> memref<16x128xf32, #tpu.memory_space<vmem_shared>>
      %dma_wait3A_113 = arith.constant 0 : i32
      %dma_wait3A_114 = tpu.memref_slice %arg12[%add3A_110, %dma_wait3A_113] : memref<10240x128xf32, #tpu.memory_space<vmem_shared>> -> memref<16x128xf32, #tpu.memory_space<vmem_shared>>
      tpu.wait_dma2 semaphore(%arg14 : memref<!tpu.dma_semaphore, #tpu.memory_space<semaphore_mem>>) src(%arg11 : memref<16x128xf32, #tpu.memory_space<vmem>>) dst(%dma_wait3A_114 : memref<16x128xf32, #tpu.memory_space<vmem_shared>>)
    }
    %scan3A_26 = arith.constant 40 : i32
    %dma_wait3A = arith.constant 0 : i32
    %dma_wait3A_27 = arith.constant 0 : i32
    %dma_wait3A_28 = tpu.memref_slice %arg3[%add3A, %dma_wait3A, %dma_wait3A_27] : memref<32x80x128xi32, #tpu.memory_space<hbm>> -> memref<1x40x128xi32, #tpu.memory_space<hbm>>
    %dma_wait3A_29 = tpu.memref_squeeze %dma_wait3A_28 : memref<1x40x128xi32, #tpu.memory_space<hbm>> -> memref<40x128xi32, #tpu.memory_space<hbm>>
    %dma_wait3A_30 = arith.constant 0 : i32
    %dma_wait3A_31 = arith.constant 0 : i32
    %dma_wait3A_32 = tpu.memref_slice %arg3[%add3A, %dma_wait3A_30, %dma_wait3A_31] : memref<32x80x128xi32, #tpu.memory_space<hbm>> -> memref<1x40x128xi32, #tpu.memory_space<hbm>>
    %dma_wait3A_33 = tpu.memref_squeeze %dma_wait3A_32 : memref<1x40x128xi32, #tpu.memory_space<hbm>> -> memref<40x128xi32, #tpu.memory_space<hbm>>
    tpu.wait_dma2 semaphore(%arg13 : memref<!tpu.dma_semaphore, #tpu.memory_space<semaphore_mem>>) src(%dma_wait3A_33 : memref<40x128xi32, #tpu.memory_space<hbm>>) dst(%arg7 : memref<40x128xi32, #tpu.memory_space<vmem>>)
    %dma_wait3A_34 = arith.constant 0 : i32
    %dma_wait3A_35 = arith.constant 0 : i32
    %dma_wait3A_36 = tpu.memref_slice %arg4[%add3A, %dma_wait3A_34, %dma_wait3A_35] : memref<32x80x128xi32, #tpu.memory_space<hbm>> -> memref<1x40x128xi32, #tpu.memory_space<hbm>>
    %dma_wait3A_37 = tpu.memref_squeeze %dma_wait3A_36 : memref<1x40x128xi32, #tpu.memory_space<hbm>> -> memref<40x128xi32, #tpu.memory_space<hbm>>
    %dma_wait3A_38 = arith.constant 0 : i32
    %dma_wait3A_39 = arith.constant 0 : i32
    %dma_wait3A_40 = tpu.memref_slice %arg4[%add3A, %dma_wait3A_38, %dma_wait3A_39] : memref<32x80x128xi32, #tpu.memory_space<hbm>> -> memref<1x40x128xi32, #tpu.memory_space<hbm>>
    %dma_wait3A_41 = tpu.memref_squeeze %dma_wait3A_40 : memref<1x40x128xi32, #tpu.memory_space<hbm>> -> memref<40x128xi32, #tpu.memory_space<hbm>>
    tpu.wait_dma2 semaphore(%arg13 : memref<!tpu.dma_semaphore, #tpu.memory_space<semaphore_mem>>) src(%dma_wait3A_41 : memref<40x128xi32, #tpu.memory_space<hbm>>) dst(%arg8 : memref<40x128xi32, #tpu.memory_space<vmem>>)
    %barrier3A = arith.constant 0 : index
    tpu.barrier barrier_id(%barrier3A)
    %dma_start3A_42 = arith.constant 0 : i32
    %dma_start3A_43 = arith.constant 0 : i32
    %dma_start3A_44 = tpu.memref_slice %arg7[%dma_start3A_42, %dma_start3A_43] : memref<40x128xi32, #tpu.memory_space<vmem>> -> memref<1x128xi32, #tpu.memory_space<vmem>>
    %dma_start3A_45 = tpu.memref_squeeze %dma_start3A_44 : memref<1x128xi32, #tpu.memory_space<vmem>> -> memref<128xi32, #tpu.memory_space<vmem>>
    %dma_start3A_46 = arith.constant 0 : i32
    %dma_start3A_47 = arith.constant 0 : i32
    %dma_start3A_48 = tpu.memref_slice %arg2[%dma_start3A_46, %dma_start3A_47] : memref<10000x128xf32, #tpu.memory_space<hbm>> -> memref<10000x128xf32, #tpu.memory_space<hbm>>
    tpu.enqueue_indirect_dma source(%dma_start3A_48 : memref<10000x128xf32, #tpu.memory_space<hbm>>) target(%arg9 : memref<128x128xf32, #tpu.memory_space<vmem>>) offsets(%dma_start3A_45 : memref<128xi32, #tpu.memory_space<vmem>>) semaphore(%arg14 : memref<!tpu.dma_semaphore, #tpu.memory_space<semaphore_mem>>)
    %scan3A_49 = arith.constant 0 : i32
    %scan3A_50 = arith.constant 0 : i32
    %scan3A_51 = arith.constant 20 : i32
    %scan3A_52 = arith.addi %scan3A_50, %scan3A_51 : i32
    %scan3A_53 = arith.constant 1 : i32
    scf.for %scan3A_105 = %scan3A_50 to %scan3A_52 step %scan3A_53  : i32 {
      %mul3A_106 = arith.constant 2 : i32
      %mul3A_107 = arith.muli %mul3A_106, %scan3A_105 : i32
      %mul3A_108 = arith.constant 2 : i32
      %mul3A_109 = arith.muli %mul3A_108, %scan3A_105 : i32
      %add3A_110 = arith.constant 1 : i32
      %add3A_111 = arith.addi %mul3A_109, %add3A_110 : i32
      %dma_wait3A_112 = arith.constant 0 : i32
      %dma_wait3A_113 = tpu.memref_slice %arg7[%mul3A_107, %dma_wait3A_112] : memref<40x128xi32, #tpu.memory_space<vmem>> -> memref<1x128xi32, #tpu.memory_space<vmem>>
      %dma_wait3A_114 = tpu.memref_squeeze %dma_wait3A_113 : memref<1x128xi32, #tpu.memory_space<vmem>> -> memref<128xi32, #tpu.memory_space<vmem>>
      %dma_wait3A_115 = arith.constant 0 : i32
      %dma_wait3A_116 = arith.constant 0 : i32
      %dma_wait3A_117 = tpu.memref_slice %arg2[%dma_wait3A_115, %dma_wait3A_116] : memref<10000x128xf32, #tpu.memory_space<hbm>> -> memref<10000x128xf32, #tpu.memory_space<hbm>>
      tpu.wait_indirect_dma semaphore(%arg14 : memref<!tpu.dma_semaphore, #tpu.memory_space<semaphore_mem>>) src(%dma_wait3A_117 : memref<10000x128xf32, #tpu.memory_space<hbm>>) dst(%arg9 : memref<128x128xf32, #tpu.memory_space<vmem>>)
      %dma_start3A_118 = arith.constant 0 : i32
      %dma_start3A_119 = tpu.memref_slice %arg7[%add3A_111, %dma_start3A_118] : memref<40x128xi32, #tpu.memory_space<vmem>> -> memref<1x128xi32, #tpu.memory_space<vmem>>
      %dma_start3A_120 = tpu.memref_squeeze %dma_start3A_119 : memref<1x128xi32, #tpu.memory_space<vmem>> -> memref<128xi32, #tpu.memory_space<vmem>>
      %dma_start3A_121 = arith.constant 0 : i32
      %dma_start3A_122 = arith.constant 0 : i32
      %dma_start3A_123 = tpu.memref_slice %arg2[%dma_start3A_121, %dma_start3A_122] : memref<10000x128xf32, #tpu.memory_space<hbm>> -> memref<10000x128xf32, #tpu.memory_space<hbm>>
      tpu.enqueue_indirect_dma source(%dma_start3A_123 : memref<10000x128xf32, #tpu.memory_space<hbm>>) target(%arg10 : memref<128x128xf32, #tpu.memory_space<vmem>>) offsets(%dma_start3A_120 : memref<128xi32, #tpu.memory_space<vmem>>) semaphore(%arg15 : memref<!tpu.dma_semaphore, #tpu.memory_space<semaphore_mem>>)
      "tpu.region"() ({
        %run_scoped3A = tpu.sem_alloc : memref<!tpu.dma_semaphore, #tpu.memory_space<semaphore_mem>>
        %dma_start3A_132 = arith.constant 0 : i32
        %dma_start3A_133 = tpu.memref_slice %arg8[%mul3A_107, %dma_start3A_132] : memref<40x128xi32, #tpu.memory_space<vmem>> -> memref<1x128xi32, #tpu.memory_space<vmem>>
        %dma_start3A_134 = tpu.memref_squeeze %dma_start3A_133 : memref<1x128xi32, #tpu.memory_space<vmem>> -> memref<128xi32, #tpu.memory_space<vmem>>
        %dma_start3A_135 = arith.constant 0 : i32
        %dma_start3A_136 = arith.constant 0 : i32
        %dma_start3A_137 = tpu.memref_slice %arg12[%dma_start3A_135, %dma_start3A_136] : memref<10240x128xf32, #tpu.memory_space<vmem_shared>> -> memref<10240x128xf32, #tpu.memory_space<vmem_shared>>
        tpu.enqueue_indirect_dma source(%arg9 : memref<128x128xf32, #tpu.memory_space<vmem>>) target(%dma_start3A_137 : memref<10240x128xf32, #tpu.memory_space<vmem_shared>>) offsets(%dma_start3A_134 : memref<128xi32, #tpu.memory_space<vmem>>) semaphore(%run_scoped3A : memref<!tpu.dma_semaphore, #tpu.memory_space<semaphore_mem>>) {add = true}
        %dma_wait3A_138 = arith.constant 0 : i32
        %dma_wait3A_139 = tpu.memref_slice %arg8[%mul3A_107, %dma_wait3A_138] : memref<40x128xi32, #tpu.memory_space<vmem>> -> memref<1x128xi32, #tpu.memory_space<vmem>>
        %dma_wait3A_140 = tpu.memref_squeeze %dma_wait3A_139 : memref<1x128xi32, #tpu.memory_space<vmem>> -> memref<128xi32, #tpu.memory_space<vmem>>
        %dma_wait3A_141 = arith.constant 0 : i32
        %dma_wait3A_142 = arith.constant 0 : i32
        %dma_wait3A_143 = tpu.memref_slice %arg12[%dma_wait3A_141, %dma_wait3A_142] : memref<10240x128xf32, #tpu.memory_space<vmem_shared>> -> memref<10240x128xf32, #tpu.memory_space<vmem_shared>>
        tpu.wait_indirect_dma semaphore(%run_scoped3A : memref<!tpu.dma_semaphore, #tpu.memory_space<semaphore_mem>>) src(%arg9 : memref<128x128xf32, #tpu.memory_space<vmem>>) dst(%dma_wait3A_143 : memref<10240x128xf32, #tpu.memory_space<vmem_shared>>)
        tpu.yield
      }) : () -> ()
      %dma_wait3A_124 = arith.constant 0 : i32
      %dma_wait3A_125 = tpu.memref_slice %arg7[%add3A_111, %dma_wait3A_124] : memref<40x128xi32, #tpu.memory_space<vmem>> -> memref<1x128xi32, #tpu.memory_space<vmem>>
      %dma_wait3A_126 = tpu.memref_squeeze %dma_wait3A_125 : memref<1x128xi32, #tpu.memory_space<vmem>> -> memref<128xi32, #tpu.memory_space<vmem>>
      %dma_wait3A_127 = arith.constant 0 : i32
      %dma_wait3A_128 = arith.constant 0 : i32
      %dma_wait3A_129 = tpu.memref_slice %arg2[%dma_wait3A_127, %dma_wait3A_128] : memref<10000x128xf32, #tpu.memory_space<hbm>> -> memref<10000x128xf32, #tpu.memory_space<hbm>>
      tpu.wait_indirect_dma semaphore(%arg15 : memref<!tpu.dma_semaphore, #tpu.memory_space<semaphore_mem>>) src(%dma_wait3A_129 : memref<10000x128xf32, #tpu.memory_space<hbm>>) dst(%arg10 : memref<128x128xf32, #tpu.memory_space<vmem>>)
      %lt3A = arith.constant 19 : i32
      %lt3A_130 = arith.cmpi slt, %scan3A_105, %lt3A : i32
      %convert_element_type3A = arith.extui %lt3A_130 : i1 to i32
      %cond3A = arith.constant 0 : i32
      %cond3A_131 = arith.cmpi ne, %convert_element_type3A, %cond3A : i32
      scf.if %cond3A_131 {
        %add3A_132 = arith.constant 2 : i32
        %add3A_133 = arith.addi %mul3A_107, %add3A_132 : i32
        %dma_start3A_134 = arith.constant 0 : i32
        %dma_start3A_135 = tpu.memref_slice %arg7[%add3A_133, %dma_start3A_134] : memref<40x128xi32, #tpu.memory_space<vmem>> -> memref<1x128xi32, #tpu.memory_space<vmem>>
        %dma_start3A_136 = tpu.memref_squeeze %dma_start3A_135 : memref<1x128xi32, #tpu.memory_space<vmem>> -> memref<128xi32, #tpu.memory_space<vmem>>
        %dma_start3A_137 = arith.constant 0 : i32
        %dma_start3A_138 = arith.constant 0 : i32
        %dma_start3A_139 = tpu.memref_slice %arg2[%dma_start3A_137, %dma_start3A_138] : memref<10000x128xf32, #tpu.memory_space<hbm>> -> memref<10000x128xf32, #tpu.memory_space<hbm>>
        tpu.enqueue_indirect_dma source(%dma_start3A_139 : memref<10000x128xf32, #tpu.memory_space<hbm>>) target(%arg9 : memref<128x128xf32, #tpu.memory_space<vmem>>) offsets(%dma_start3A_136 : memref<128xi32, #tpu.memory_space<vmem>>) semaphore(%arg14 : memref<!tpu.dma_semaphore, #tpu.memory_space<semaphore_mem>>)
      } else {
      }
      "tpu.region"() ({
        %run_scoped3A = tpu.sem_alloc : memref<!tpu.dma_semaphore, #tpu.memory_space<semaphore_mem>>
        %dma_start3A_132 = arith.constant 0 : i32
        %dma_start3A_133 = tpu.memref_slice %arg8[%add3A_111, %dma_start3A_132] : memref<40x128xi32, #tpu.memory_space<vmem>> -> memref<1x128xi32, #tpu.memory_space<vmem>>
        %dma_start3A_134 = tpu.memref_squeeze %dma_start3A_133 : memref<1x128xi32, #tpu.memory_space<vmem>> -> memref<128xi32, #tpu.memory_space<vmem>>
        %dma_start3A_135 = arith.constant 0 : i32
        %dma_start3A_136 = arith.constant 0 : i32
        %dma_start3A_137 = tpu.memref_slice %arg12[%dma_start3A_135, %dma_start3A_136] : memref<10240x128xf32, #tpu.memory_space<vmem_shared>> -> memref<10240x128xf32, #tpu.memory_space<vmem_shared>>
        tpu.enqueue_indirect_dma source(%arg10 : memref<128x128xf32, #tpu.memory_space<vmem>>) target(%dma_start3A_137 : memref<10240x128xf32, #tpu.memory_space<vmem_shared>>) offsets(%dma_start3A_134 : memref<128xi32, #tpu.memory_space<vmem>>) semaphore(%run_scoped3A : memref<!tpu.dma_semaphore, #tpu.memory_space<semaphore_mem>>) {add = true}
        %dma_wait3A_138 = arith.constant 0 : i32
        %dma_wait3A_139 = tpu.memref_slice %arg8[%add3A_111, %dma_wait3A_138] : memref<40x128xi32, #tpu.memory_space<vmem>> -> memref<1x128xi32, #tpu.memory_space<vmem>>
        %dma_wait3A_140 = tpu.memref_squeeze %dma_wait3A_139 : memref<1x128xi32, #tpu.memory_space<vmem>> -> memref<128xi32, #tpu.memory_space<vmem>>
        %dma_wait3A_141 = arith.constant 0 : i32
        %dma_wait3A_142 = arith.constant 0 : i32
        %dma_wait3A_143 = tpu.memref_slice %arg12[%dma_wait3A_141, %dma_wait3A_142] : memref<10240x128xf32, #tpu.memory_space<vmem_shared>> -> memref<10240x128xf32, #tpu.memory_space<vmem_shared>>
        tpu.wait_indirect_dma semaphore(%run_scoped3A : memref<!tpu.dma_semaphore, #tpu.memory_space<semaphore_mem>>) src(%arg10 : memref<128x128xf32, #tpu.memory_space<vmem>>) dst(%dma_wait3A_143 : memref<10240x128xf32, #tpu.memory_space<vmem_shared>>)
        tpu.yield
      }) : () -> ()
    }
    %scan3A_54 = arith.constant 20 : i32
    %dma_start3A_55 = arith.constant 40 : i32
    %dma_start3A_56 = arith.constant 0 : i32
    %dma_start3A_57 = tpu.memref_slice %arg3[%add3A, %dma_start3A_55, %dma_start3A_56] : memref<32x80x128xi32, #tpu.memory_space<hbm>> -> memref<1x40x128xi32, #tpu.memory_space<hbm>>
    %dma_start3A_58 = tpu.memref_squeeze %dma_start3A_57 : memref<1x40x128xi32, #tpu.memory_space<hbm>> -> memref<40x128xi32, #tpu.memory_space<hbm>>
    %dma_start3A_59 = arith.constant 40 : i32
    %dma_start3A_60 = arith.constant 0 : i32
    %dma_start3A_61 = tpu.memref_slice %arg3[%add3A, %dma_start3A_59, %dma_start3A_60] : memref<32x80x128xi32, #tpu.memory_space<hbm>> -> memref<1x40x128xi32, #tpu.memory_space<hbm>>
    %dma_start3A_62 = tpu.memref_squeeze %dma_start3A_61 : memref<1x40x128xi32, #tpu.memory_space<hbm>> -> memref<40x128xi32, #tpu.memory_space<hbm>>
    tpu.enqueue_dma source(%dma_start3A_62 : memref<40x128xi32, #tpu.memory_space<hbm>>) target(%arg7 : memref<40x128xi32, #tpu.memory_space<vmem>>) target_semaphore(%arg13 : memref<!tpu.dma_semaphore, #tpu.memory_space<semaphore_mem>>)
    %dma_start3A_63 = arith.constant 40 : i32
    %dma_start3A_64 = arith.constant 0 : i32
    %dma_start3A_65 = tpu.memref_slice %arg4[%add3A, %dma_start3A_63, %dma_start3A_64] : memref<32x80x128xi32, #tpu.memory_space<hbm>> -> memref<1x40x128xi32, #tpu.memory_space<hbm>>
    %dma_start3A_66 = tpu.memref_squeeze %dma_start3A_65 : memref<1x40x128xi32, #tpu.memory_space<hbm>> -> memref<40x128xi32, #tpu.memory_space<hbm>>
    %dma_start3A_67 = arith.constant 40 : i32
    %dma_start3A_68 = arith.constant 0 : i32
    %dma_start3A_69 = tpu.memref_slice %arg4[%add3A, %dma_start3A_67, %dma_start3A_68] : memref<32x80x128xi32, #tpu.memory_space<hbm>> -> memref<1x40x128xi32, #tpu.memory_space<hbm>>
    %dma_start3A_70 = tpu.memref_squeeze %dma_start3A_69 : memref<1x40x128xi32, #tpu.memory_space<hbm>> -> memref<40x128xi32, #tpu.memory_space<hbm>>
    tpu.enqueue_dma source(%dma_start3A_70 : memref<40x128xi32, #tpu.memory_space<hbm>>) target(%arg8 : memref<40x128xi32, #tpu.memory_space<vmem>>) target_semaphore(%arg13 : memref<!tpu.dma_semaphore, #tpu.memory_space<semaphore_mem>>)
    %dma_wait3A_71 = arith.constant 40 : i32
    %dma_wait3A_72 = arith.constant 0 : i32
    %dma_wait3A_73 = tpu.memref_slice %arg3[%add3A, %dma_wait3A_71, %dma_wait3A_72] : memref<32x80x128xi32, #tpu.memory_space<hbm>> -> memref<1x40x128xi32, #tpu.memory_space<hbm>>
    %dma_wait3A_74 = tpu.memref_squeeze %dma_wait3A_73 : memref<1x40x128xi32, #tpu.memory_space<hbm>> -> memref<40x128xi32, #tpu.memory_space<hbm>>
    %dma_wait3A_75 = arith.constant 40 : i32
    %dma_wait3A_76 = arith.constant 0 : i32
    %dma_wait3A_77 = tpu.memref_slice %arg3[%add3A, %dma_wait3A_75, %dma_wait3A_76] : memref<32x80x128xi32, #tpu.memory_space<hbm>> -> memref<1x40x128xi32, #tpu.memory_space<hbm>>
    %dma_wait3A_78 = tpu.memref_squeeze %dma_wait3A_77 : memref<1x40x128xi32, #tpu.memory_space<hbm>> -> memref<40x128xi32, #tpu.memory_space<hbm>>
    tpu.wait_dma2 semaphore(%arg13 : memref<!tpu.dma_semaphore, #tpu.memory_space<semaphore_mem>>) src(%dma_wait3A_78 : memref<40x128xi32, #tpu.memory_space<hbm>>) dst(%arg7 : memref<40x128xi32, #tpu.memory_space<vmem>>)
    %dma_wait3A_79 = arith.constant 40 : i32
    %dma_wait3A_80 = arith.constant 0 : i32
    %dma_wait3A_81 = tpu.memref_slice %arg4[%add3A, %dma_wait3A_79, %dma_wait3A_80] : memref<32x80x128xi32, #tpu.memory_space<hbm>> -> memref<1x40x128xi32, #tpu.memory_space<hbm>>
    %dma_wait3A_82 = tpu.memref_squeeze %dma_wait3A_81 : memref<1x40x128xi32, #tpu.memory_space<hbm>> -> memref<40x128xi32, #tpu.memory_space<hbm>>
    %dma_wait3A_83 = arith.constant 40 : i32
    %dma_wait3A_84 = arith.constant 0 : i32
    %dma_wait3A_85 = tpu.memref_slice %arg4[%add3A, %dma_wait3A_83, %dma_wait3A_84] : memref<32x80x128xi32, #tpu.memory_space<hbm>> -> memref<1x40x128xi32, #tpu.memory_space<hbm>>
    %dma_wait3A_86 = tpu.memref_squeeze %dma_wait3A_85 : memref<1x40x128xi32, #tpu.memory_space<hbm>> -> memref<40x128xi32, #tpu.memory_space<hbm>>
    tpu.wait_dma2 semaphore(%arg13 : memref<!tpu.dma_semaphore, #tpu.memory_space<semaphore_mem>>) src(%dma_wait3A_86 : memref<40x128xi32, #tpu.memory_space<hbm>>) dst(%arg8 : memref<40x128xi32, #tpu.memory_space<vmem>>)
    %dma_start3A_87 = arith.constant 0 : i32
    %dma_start3A_88 = arith.constant 0 : i32
    %dma_start3A_89 = tpu.memref_slice %arg7[%dma_start3A_87, %dma_start3A_88] : memref<40x128xi32, #tpu.memory_space<vmem>> -> memref<1x128xi32, #tpu.memory_space<vmem>>
    %dma_start3A_90 = tpu.memref_squeeze %dma_start3A_89 : memref<1x128xi32, #tpu.memory_space<vmem>> -> memref<128xi32, #tpu.memory_space<vmem>>
    %dma_start3A_91 = arith.constant 0 : i32
    %dma_start3A_92 = arith.constant 0 : i32
    %dma_start3A_93 = tpu.memref_slice %arg2[%dma_start3A_91, %dma_start3A_92] : memref<10000x128xf32, #tpu.memory_space<hbm>> -> memref<10000x128xf32, #tpu.memory_space<hbm>>
    tpu.enqueue_indirect_dma source(%dma_start3A_93 : memref<10000x128xf32, #tpu.memory_space<hbm>>) target(%arg9 : memref<128x128xf32, #tpu.memory_space<vmem>>) offsets(%dma_start3A_90 : memref<128xi32, #tpu.memory_space<vmem>>) semaphore(%arg14 : memref<!tpu.dma_semaphore, #tpu.memory_space<semaphore_mem>>)
    %scan3A_94 = arith.constant 0 : i32
    %scan3A_95 = arith.constant 0 : i32
    %scan3A_96 = arith.constant 20 : i32
    %scan3A_97 = arith.addi %scan3A_95, %scan3A_96 : i32
    %scan3A_98 = arith.constant 1 : i32
    scf.for %scan3A_105 = %scan3A_95 to %scan3A_97 step %scan3A_98  : i32 {
      %mul3A_106 = arith.constant 2 : i32
      %mul3A_107 = arith.muli %mul3A_106, %scan3A_105 : i32
      %mul3A_108 = arith.constant 2 : i32
      %mul3A_109 = arith.muli %mul3A_108, %scan3A_105 : i32
      %add3A_110 = arith.constant 1 : i32
      %add3A_111 = arith.addi %mul3A_109, %add3A_110 : i32
      %dma_wait3A_112 = arith.constant 0 : i32
      %dma_wait3A_113 = tpu.memref_slice %arg7[%mul3A_107, %dma_wait3A_112] : memref<40x128xi32, #tpu.memory_space<vmem>> -> memref<1x128xi32, #tpu.memory_space<vmem>>
      %dma_wait3A_114 = tpu.memref_squeeze %dma_wait3A_113 : memref<1x128xi32, #tpu.memory_space<vmem>> -> memref<128xi32, #tpu.memory_space<vmem>>
      %dma_wait3A_115 = arith.constant 0 : i32
      %dma_wait3A_116 = arith.constant 0 : i32
      %dma_wait3A_117 = tpu.memref_slice %arg2[%dma_wait3A_115, %dma_wait3A_116] : memref<10000x128xf32, #tpu.memory_space<hbm>> -> memref<10000x128xf32, #tpu.memory_space<hbm>>
      tpu.wait_indirect_dma semaphore(%arg14 : memref<!tpu.dma_semaphore, #tpu.memory_space<semaphore_mem>>) src(%dma_wait3A_117 : memref<10000x128xf32, #tpu.memory_space<hbm>>) dst(%arg9 : memref<128x128xf32, #tpu.memory_space<vmem>>)
      %dma_start3A_118 = arith.constant 0 : i32
      %dma_start3A_119 = tpu.memref_slice %arg7[%add3A_111, %dma_start3A_118] : memref<40x128xi32, #tpu.memory_space<vmem>> -> memref<1x128xi32, #tpu.memory_space<vmem>>
      %dma_start3A_120 = tpu.memref_squeeze %dma_start3A_119 : memref<1x128xi32, #tpu.memory_space<vmem>> -> memref<128xi32, #tpu.memory_space<vmem>>
      %dma_start3A_121 = arith.constant 0 : i32
      %dma_start3A_122 = arith.constant 0 : i32
      %dma_start3A_123 = tpu.memref_slice %arg2[%dma_start3A_121, %dma_start3A_122] : memref<10000x128xf32, #tpu.memory_space<hbm>> -> memref<10000x128xf32, #tpu.memory_space<hbm>>
      tpu.enqueue_indirect_dma source(%dma_start3A_123 : memref<10000x128xf32, #tpu.memory_space<hbm>>) target(%arg10 : memref<128x128xf32, #tpu.memory_space<vmem>>) offsets(%dma_start3A_120 : memref<128xi32, #tpu.memory_space<vmem>>) semaphore(%arg15 : memref<!tpu.dma_semaphore, #tpu.memory_space<semaphore_mem>>)
      "tpu.region"() ({
        %run_scoped3A = tpu.sem_alloc : memref<!tpu.dma_semaphore, #tpu.memory_space<semaphore_mem>>
        %dma_start3A_132 = arith.constant 0 : i32
        %dma_start3A_133 = tpu.memref_slice %arg8[%mul3A_107, %dma_start3A_132] : memref<40x128xi32, #tpu.memory_space<vmem>> -> memref<1x128xi32, #tpu.memory_space<vmem>>
        %dma_start3A_134 = tpu.memref_squeeze %dma_start3A_133 : memref<1x128xi32, #tpu.memory_space<vmem>> -> memref<128xi32, #tpu.memory_space<vmem>>
        %dma_start3A_135 = arith.constant 0 : i32
        %dma_start3A_136 = arith.constant 0 : i32
        %dma_start3A_137 = tpu.memref_slice %arg12[%dma_start3A_135, %dma_start3A_136] : memref<10240x128xf32, #tpu.memory_space<vmem_shared>> -> memref<10240x128xf32, #tpu.memory_space<vmem_shared>>
        tpu.enqueue_indirect_dma source(%arg9 : memref<128x128xf32, #tpu.memory_space<vmem>>) target(%dma_start3A_137 : memref<10240x128xf32, #tpu.memory_space<vmem_shared>>) offsets(%dma_start3A_134 : memref<128xi32, #tpu.memory_space<vmem>>) semaphore(%run_scoped3A : memref<!tpu.dma_semaphore, #tpu.memory_space<semaphore_mem>>) {add = true}
        %dma_wait3A_138 = arith.constant 0 : i32
        %dma_wait3A_139 = tpu.memref_slice %arg8[%mul3A_107, %dma_wait3A_138] : memref<40x128xi32, #tpu.memory_space<vmem>> -> memref<1x128xi32, #tpu.memory_space<vmem>>
        %dma_wait3A_140 = tpu.memref_squeeze %dma_wait3A_139 : memref<1x128xi32, #tpu.memory_space<vmem>> -> memref<128xi32, #tpu.memory_space<vmem>>
        %dma_wait3A_141 = arith.constant 0 : i32
        %dma_wait3A_142 = arith.constant 0 : i32
        %dma_wait3A_143 = tpu.memref_slice %arg12[%dma_wait3A_141, %dma_wait3A_142] : memref<10240x128xf32, #tpu.memory_space<vmem_shared>> -> memref<10240x128xf32, #tpu.memory_space<vmem_shared>>
        tpu.wait_indirect_dma semaphore(%run_scoped3A : memref<!tpu.dma_semaphore, #tpu.memory_space<semaphore_mem>>) src(%arg9 : memref<128x128xf32, #tpu.memory_space<vmem>>) dst(%dma_wait3A_143 : memref<10240x128xf32, #tpu.memory_space<vmem_shared>>)
        tpu.yield
      }) : () -> ()
      %dma_wait3A_124 = arith.constant 0 : i32
      %dma_wait3A_125 = tpu.memref_slice %arg7[%add3A_111, %dma_wait3A_124] : memref<40x128xi32, #tpu.memory_space<vmem>> -> memref<1x128xi32, #tpu.memory_space<vmem>>
      %dma_wait3A_126 = tpu.memref_squeeze %dma_wait3A_125 : memref<1x128xi32, #tpu.memory_space<vmem>> -> memref<128xi32, #tpu.memory_space<vmem>>
      %dma_wait3A_127 = arith.constant 0 : i32
      %dma_wait3A_128 = arith.constant 0 : i32
      %dma_wait3A_129 = tpu.memref_slice %arg2[%dma_wait3A_127, %dma_wait3A_128] : memref<10000x128xf32, #tpu.memory_space<hbm>> -> memref<10000x128xf32, #tpu.memory_space<hbm>>
      tpu.wait_indirect_dma semaphore(%arg15 : memref<!tpu.dma_semaphore, #tpu.memory_space<semaphore_mem>>) src(%dma_wait3A_129 : memref<10000x128xf32, #tpu.memory_space<hbm>>) dst(%arg10 : memref<128x128xf32, #tpu.memory_space<vmem>>)
      %lt3A = arith.constant 19 : i32
      %lt3A_130 = arith.cmpi slt, %scan3A_105, %lt3A : i32
      %convert_element_type3A = arith.extui %lt3A_130 : i1 to i32
      %cond3A = arith.constant 0 : i32
      %cond3A_131 = arith.cmpi ne, %convert_element_type3A, %cond3A : i32
      scf.if %cond3A_131 {
        %add3A_132 = arith.constant 2 : i32
        %add3A_133 = arith.addi %mul3A_107, %add3A_132 : i32
        %dma_start3A_134 = arith.constant 0 : i32
        %dma_start3A_135 = tpu.memref_slice %arg7[%add3A_133, %dma_start3A_134] : memref<40x128xi32, #tpu.memory_space<vmem>> -> memref<1x128xi32, #tpu.memory_space<vmem>>
        %dma_start3A_136 = tpu.memref_squeeze %dma_start3A_135 : memref<1x128xi32, #tpu.memory_space<vmem>> -> memref<128xi32, #tpu.memory_space<vmem>>
        %dma_start3A_137 = arith.constant 0 : i32
        %dma_start3A_138 = arith.constant 0 : i32
        %dma_start3A_139 = tpu.memref_slice %arg2[%dma_start3A_137, %dma_start3A_138] : memref<10000x128xf32, #tpu.memory_space<hbm>> -> memref<10000x128xf32, #tpu.memory_space<hbm>>
        tpu.enqueue_indirect_dma source(%dma_start3A_139 : memref<10000x128xf32, #tpu.memory_space<hbm>>) target(%arg9 : memref<128x128xf32, #tpu.memory_space<vmem>>) offsets(%dma_start3A_136 : memref<128xi32, #tpu.memory_space<vmem>>) semaphore(%arg14 : memref<!tpu.dma_semaphore, #tpu.memory_space<semaphore_mem>>)
      } else {
      }
      "tpu.region"() ({
        %run_scoped3A = tpu.sem_alloc : memref<!tpu.dma_semaphore, #tpu.memory_space<semaphore_mem>>
        %dma_start3A_132 = arith.constant 0 : i32
        %dma_start3A_133 = tpu.memref_slice %arg8[%add3A_111, %dma_start3A_132] : memref<40x128xi32, #tpu.memory_space<vmem>> -> memref<1x128xi32, #tpu.memory_space<vmem>>
        %dma_start3A_134 = tpu.memref_squeeze %dma_start3A_133 : memref<1x128xi32, #tpu.memory_space<vmem>> -> memref<128xi32, #tpu.memory_space<vmem>>
        %dma_start3A_135 = arith.constant 0 : i32
        %dma_start3A_136 = arith.constant 0 : i32
        %dma_start3A_137 = tpu.memref_slice %arg12[%dma_start3A_135, %dma_start3A_136] : memref<10240x128xf32, #tpu.memory_space<vmem_shared>> -> memref<10240x128xf32, #tpu.memory_space<vmem_shared>>
        tpu.enqueue_indirect_dma source(%arg10 : memref<128x128xf32, #tpu.memory_space<vmem>>) target(%dma_start3A_137 : memref<10240x128xf32, #tpu.memory_space<vmem_shared>>) offsets(%dma_start3A_134 : memref<128xi32, #tpu.memory_space<vmem>>) semaphore(%run_scoped3A : memref<!tpu.dma_semaphore, #tpu.memory_space<semaphore_mem>>) {add = true}
        %dma_wait3A_138 = arith.constant 0 : i32
        %dma_wait3A_139 = tpu.memref_slice %arg8[%add3A_111, %dma_wait3A_138] : memref<40x128xi32, #tpu.memory_space<vmem>> -> memref<1x128xi32, #tpu.memory_space<vmem>>
        %dma_wait3A_140 = tpu.memref_squeeze %dma_wait3A_139 : memref<1x128xi32, #tpu.memory_space<vmem>> -> memref<128xi32, #tpu.memory_space<vmem>>
        %dma_wait3A_141 = arith.constant 0 : i32
        %dma_wait3A_142 = arith.constant 0 : i32
        %dma_wait3A_143 = tpu.memref_slice %arg12[%dma_wait3A_141, %dma_wait3A_142] : memref<10240x128xf32, #tpu.memory_space<vmem_shared>> -> memref<10240x128xf32, #tpu.memory_space<vmem_shared>>
        tpu.wait_indirect_dma semaphore(%run_scoped3A : memref<!tpu.dma_semaphore, #tpu.memory_space<semaphore_mem>>) src(%arg10 : memref<128x128xf32, #tpu.memory_space<vmem>>) dst(%dma_wait3A_143 : memref<10240x128xf32, #tpu.memory_space<vmem_shared>>)
        tpu.yield
      }) : () -> ()
    }
    %scan3A_99 = arith.constant 20 : i32
    %barrier3A_100 = arith.constant 0 : index
    tpu.barrier barrier_id(%barrier3A_100)
    %mul3A_101 = arith.constant 640 : i32
    %mul3A_102 = arith.muli %arg1, %mul3A_101 : i32
    %mul3A_103 = arith.constant 640 : i32
    %mul3A_104 = arith.muli %arg1, %mul3A_103 : i32
    "tpu.region"() ({
      %run_scoped3A = tpu.sem_alloc : memref<!tpu.dma_semaphore, #tpu.memory_space<semaphore_mem>>
      %dma_start3A_105 = arith.constant 0 : i32
      %dma_start3A_106 = tpu.memref_slice %arg6[%arg0, %mul3A_104, %dma_start3A_105] : memref<2x10240x128xf32, #tpu.memory_space<hbm>> -> memref<1x640x128xf32, #tpu.memory_space<hbm>>
      %dma_start3A_107 = tpu.memref_squeeze %dma_start3A_106 : memref<1x640x128xf32, #tpu.memory_space<hbm>> -> memref<640x128xf32, #tpu.memory_space<hbm>>
      %dma_start3A_108 = arith.constant 0 : i32
      %dma_start3A_109 = tpu.memref_slice %arg12[%mul3A_102, %dma_start3A_108] : memref<10240x128xf32, #tpu.memory_space<vmem_shared>> -> memref<640x128xf32, #tpu.memory_space<vmem_shared>>
      tpu.enqueue_dma source(%dma_start3A_109 : memref<640x128xf32, #tpu.memory_space<vmem_shared>>) target(%dma_start3A_107 : memref<640x128xf32, #tpu.memory_space<hbm>>) target_semaphore(%run_scoped3A : memref<!tpu.dma_semaphore, #tpu.memory_space<semaphore_mem>>)
      %dma_wait3A_110 = arith.constant 0 : i32
      %dma_wait3A_111 = tpu.memref_slice %arg6[%arg0, %mul3A_104, %dma_wait3A_110] : memref<2x10240x128xf32, #tpu.memory_space<hbm>> -> memref<1x640x128xf32, #tpu.memory_space<hbm>>
      %dma_wait3A_112 = tpu.memref_squeeze %dma_wait3A_111 : memref<1x640x128xf32, #tpu.memory_space<hbm>> -> memref<640x128xf32, #tpu.memory_space<hbm>>
      %dma_wait3A_113 = arith.constant 0 : i32
      %dma_wait3A_114 = tpu.memref_slice %arg12[%mul3A_102, %dma_wait3A_113] : memref<10240x128xf32, #tpu.memory_space<vmem_shared>> -> memref<640x128xf32, #tpu.memory_space<vmem_shared>>
      tpu.wait_dma2 semaphore(%run_scoped3A : memref<!tpu.dma_semaphore, #tpu.memory_space<semaphore_mem>>) src(%dma_wait3A_114 : memref<640x128xf32, #tpu.memory_space<vmem_shared>>) dst(%dma_wait3A_112 : memref<640x128xf32, #tpu.memory_space<hbm>>)
      tpu.yield
    }) : () -> ()
    return
  }
}

module attributes {stable_mosaic.version = 14 : i64} {
  func.func @_tc1_body(%arg0: memref<10000x128xf32, #tpu.memory_space<vmem>>, %arg1: memref<128x128xf32, #tpu.memory_space<vmem>>, %arg2: memref<10000x1xf32, #tpu.memory_space<vmem>>, %arg3: memref<10000x128xf32, #tpu.memory_space<vmem>>) attributes {dimension_semantics = [], scalar_prefetch = 0 : i64, scratch_operands = 0 : i64, tpu.core_type = #tpu.core_type<tc>} {
    %get3A = arith.constant 0 : index
    %get3A_0 = arith.constant 0 : index
    %get3A_1 = vector.load %arg0[%get3A, %get3A_0] : memref<10000x128xf32, #tpu.memory_space<vmem>>, vector<10000x128xf32>
    %get3A_2 = arith.constant 0 : index
    %get3A_3 = arith.constant 0 : index
    %get3A_4 = vector.load %arg1[%get3A_2, %get3A_3] : memref<128x128xf32, #tpu.memory_space<vmem>>, vector<128x128xf32>
    %dot_general3A = arith.constant dense<0.000000e+00> : vector<10000x128xf32>
    %dot_general3A_5 = tpu.matmul %get3A_1, %get3A_4, %dot_general3A {dimension_numbers = #tpu.dot_dimension_numbers<[1], [0], [0], [1], [0, 0, 1, 1], [], []>, transpose_lhs_hint = false} : vector<10000x128xf32>, vector<128x128xf32>, vector<10000x128xf32> -> vector<10000x128xf32>
    %get3A_6 = arith.constant 0 : index
    %get3A_7 = arith.constant 0 : index
    %get3A_8 = vector.load %arg2[%get3A_6, %get3A_7] : memref<10000x1xf32, #tpu.memory_space<vmem>>, vector<10000x1xf32>
    %mul3A = vector.broadcast %get3A_8 : vector<10000x1xf32> to vector<10000x128xf32>
    %mul3A_9 = arith.mulf %mul3A, %dot_general3A_5 : vector<10000x128xf32>
    %swap3A = arith.constant 0 : index
    %swap3A_10 = arith.constant 0 : index
    %swap3A_11 = vector.load %arg3[%swap3A, %swap3A_10] : memref<10000x128xf32, #tpu.memory_space<vmem>>, vector<10000x128xf32>
    tpu.vector_store %arg3[%swap3A, %swap3A_10], %mul3A_9 {strides = array<i32>} : memref<10000x128xf32, #tpu.memory_space<vmem>>, vector<10000x128xf32>,
    return
  }
}

module attributes {stable_mosaic.version = 14 : i64} {
  func.func @_tc2_body(%arg0: memref<2x10240x128xf32, #tpu.memory_space<vmem>>, %arg1: memref<10000x128xf32, #tpu.memory_space<vmem>>, %arg2: memref<10000x1xf32, #tpu.memory_space<vmem>>, %arg3: memref<1x128xf32, #tpu.memory_space<vmem>>, %arg4: memref<128x128xf32, #tpu.memory_space<vmem>>, %arg5: memref<10000x128xf32, #tpu.memory_space<vmem>>) attributes {dimension_semantics = [], scalar_prefetch = 0 : i64, scratch_operands = 0 : i64, tpu.core_type = #tpu.core_type<tc>} {
    %get3A = arith.constant 0 : index
    %get3A_0 = arith.constant 0 : index
    %get3A_1 = arith.constant 0 : index
    %get3A_2 = vector.load %arg0[%get3A, %get3A_0, %get3A_1] : memref<2x10240x128xf32, #tpu.memory_space<vmem>>, vector<1x10000x128xf32>
    %get3A_3 = vector.shape_cast %get3A_2 : vector<1x10000x128xf32> to vector<10000x128xf32>
    %get3A_4 = arith.constant 1 : index
    %get3A_5 = arith.constant 0 : index
    %get3A_6 = arith.constant 0 : index
    %get3A_7 = vector.load %arg0[%get3A_4, %get3A_5, %get3A_6] : memref<2x10240x128xf32, #tpu.memory_space<vmem>>, vector<1x10000x128xf32>
    %get3A_8 = vector.shape_cast %get3A_7 : vector<1x10000x128xf32> to vector<10000x128xf32>
    %add3A = arith.addf %get3A_3, %get3A_8 : vector<10000x128xf32>
    %get3A_9 = arith.constant 0 : index
    %get3A_10 = arith.constant 0 : index
    %get3A_11 = vector.load %arg2[%get3A_9, %get3A_10] : memref<10000x1xf32, #tpu.memory_space<vmem>>, vector<10000x1xf32>
    %get3A_12 = arith.constant 0 : index
    %get3A_13 = arith.constant 0 : index
    %get3A_14 = vector.load %arg1[%get3A_12, %get3A_13] : memref<10000x128xf32, #tpu.memory_space<vmem>>, vector<10000x128xf32>
    %add3A_15 = arith.addf %add3A, %get3A_14 : vector<10000x128xf32>
    %mul3A = vector.broadcast %get3A_11 : vector<10000x1xf32> to vector<10000x128xf32>
    %mul3A_16 = arith.mulf %mul3A, %add3A_15 : vector<10000x128xf32>
    %get3A_17 = arith.constant 0 : index
    %get3A_18 = arith.constant 0 : index
    %get3A_19 = vector.load %arg3[%get3A_17, %get3A_18] : memref<1x128xf32, #tpu.memory_space<vmem>>, vector<1x128xf32>
    %add3A_20 = vector.broadcast %get3A_19 : vector<1x128xf32> to vector<10000x128xf32>
    %add3A_21 = arith.addf %mul3A_16, %add3A_20 : vector<10000x128xf32>
    %integer_pow3A = arith.mulf %add3A_21, %add3A_21 : vector<10000x128xf32>
    %integer_pow3A_22 = arith.mulf %add3A_21, %integer_pow3A : vector<10000x128xf32>
    %mul3A_23 = arith.constant 4.471500e-02 : f32
    %mul3A_24 = vector.broadcast %mul3A_23 : f32 to vector<10000x128xf32>
    %mul3A_25 = arith.mulf %mul3A_24, %integer_pow3A_22 : vector<10000x128xf32>
    %add3A_26 = arith.addf %add3A_21, %mul3A_25 : vector<10000x128xf32>
    %mul3A_27 = arith.constant 0.797884583 : f32
    %mul3A_28 = vector.broadcast %mul3A_27 : f32 to vector<10000x128xf32>
    %mul3A_29 = arith.mulf %mul3A_28, %add3A_26 : vector<10000x128xf32>
    %tanh3A = math.tanh %mul3A_29 : vector<10000x128xf32>
    %add3A_30 = arith.constant 1.000000e+00 : f32
    %add3A_31 = vector.broadcast %add3A_30 : f32 to vector<10000x128xf32>
    %add3A_32 = arith.addf %add3A_31, %tanh3A : vector<10000x128xf32>
    %mul3A_33 = arith.constant 5.000000e-01 : f32
    %mul3A_34 = vector.broadcast %mul3A_33 : f32 to vector<10000x128xf32>
    %mul3A_35 = arith.mulf %mul3A_34, %add3A_32 : vector<10000x128xf32>
    %mul3A_36 = arith.mulf %add3A_21, %mul3A_35 : vector<10000x128xf32>
    %get3A_37 = arith.constant 0 : index
    %get3A_38 = arith.constant 0 : index
    %get3A_39 = vector.load %arg4[%get3A_37, %get3A_38] : memref<128x128xf32, #tpu.memory_space<vmem>>, vector<128x128xf32>
    %dot_general3A = arith.constant dense<0.000000e+00> : vector<10000x128xf32>
    %dot_general3A_40 = tpu.matmul %mul3A_36, %get3A_39, %dot_general3A {dimension_numbers = #tpu.dot_dimension_numbers<[1], [0], [0], [1], [0, 0, 1, 1], [], []>, transpose_lhs_hint = false} : vector<10000x128xf32>, vector<128x128xf32>, vector<10000x128xf32> -> vector<10000x128xf32>
    %mul3A_41 = vector.broadcast %get3A_11 : vector<10000x1xf32> to vector<10000x128xf32>
    %mul3A_42 = arith.mulf %mul3A_41, %dot_general3A_40 : vector<10000x128xf32>
    %swap3A = arith.constant 0 : index
    %swap3A_43 = arith.constant 0 : index
    %swap3A_44 = vector.load %arg5[%swap3A, %swap3A_43] : memref<10000x128xf32, #tpu.memory_space<vmem>>, vector<10000x128xf32>
    tpu.vector_store %arg5[%swap3A, %swap3A_43], %mul3A_42 {strides = array<i32>} : memref<10000x128xf32, #tpu.memory_space<vmem>>, vector<10000x128xf32>,
    return
  }
}

module attributes {stable_mosaic.version = 14 : i64} {
  func.func @_tc3_body(%arg0: memref<2x10240x128xf32, #tpu.memory_space<vmem>>, %arg1: memref<10000x128xf32, #tpu.memory_space<vmem>>, %arg2: memref<10000x1xf32, #tpu.memory_space<vmem>>, %arg3: memref<1x128xf32, #tpu.memory_space<vmem>>, %arg4: memref<10000x128xf32, #tpu.memory_space<vmem>>) attributes {dimension_semantics = [], scalar_prefetch = 0 : i64, scratch_operands = 0 : i64, tpu.core_type = #tpu.core_type<tc>} {
    %get3A = arith.constant 0 : index
    %get3A_0 = arith.constant 0 : index
    %get3A_1 = arith.constant 0 : index
    %get3A_2 = vector.load %arg0[%get3A, %get3A_0, %get3A_1] : memref<2x10240x128xf32, #tpu.memory_space<vmem>>, vector<1x10000x128xf32>
    %get3A_3 = vector.shape_cast %get3A_2 : vector<1x10000x128xf32> to vector<10000x128xf32>
    %get3A_4 = arith.constant 1 : index
    %get3A_5 = arith.constant 0 : index
    %get3A_6 = arith.constant 0 : index
    %get3A_7 = vector.load %arg0[%get3A_4, %get3A_5, %get3A_6] : memref<2x10240x128xf32, #tpu.memory_space<vmem>>, vector<1x10000x128xf32>
    %get3A_8 = vector.shape_cast %get3A_7 : vector<1x10000x128xf32> to vector<10000x128xf32>
    %add3A = arith.addf %get3A_3, %get3A_8 : vector<10000x128xf32>
    %get3A_9 = arith.constant 0 : index
    %get3A_10 = arith.constant 0 : index
    %get3A_11 = vector.load %arg2[%get3A_9, %get3A_10] : memref<10000x1xf32, #tpu.memory_space<vmem>>, vector<10000x1xf32>
    %get3A_12 = arith.constant 0 : index
    %get3A_13 = arith.constant 0 : index
    %get3A_14 = vector.load %arg1[%get3A_12, %get3A_13] : memref<10000x128xf32, #tpu.memory_space<vmem>>, vector<10000x128xf32>
    %add3A_15 = arith.addf %add3A, %get3A_14 : vector<10000x128xf32>
    %mul3A = vector.broadcast %get3A_11 : vector<10000x1xf32> to vector<10000x128xf32>
    %mul3A_16 = arith.mulf %mul3A, %add3A_15 : vector<10000x128xf32>
    %get3A_17 = arith.constant 0 : index
    %get3A_18 = arith.constant 0 : index
    %get3A_19 = vector.load %arg3[%get3A_17, %get3A_18] : memref<1x128xf32, #tpu.memory_space<vmem>>, vector<1x128xf32>
    %add3A_20 = vector.broadcast %get3A_19 : vector<1x128xf32> to vector<10000x128xf32>
    %add3A_21 = arith.addf %mul3A_16, %add3A_20 : vector<10000x128xf32>
    %swap3A = arith.constant 0 : index
    %swap3A_22 = arith.constant 0 : index
    %swap3A_23 = vector.load %arg4[%swap3A, %swap3A_22] : memref<10000x128xf32, #tpu.memory_space<vmem>>, vector<10000x128xf32>
    tpu.vector_store %arg4[%swap3A, %swap3A_22], %add3A_21 {strides = array<i32>} : memref<10000x128xf32, #tpu.memory_space<vmem>>, vector<10000x128xf32>,
    return
  }
}

</mosaic_0001>

<sc_bundles>
// kernel: kernel.11.cloned.1.call-start
scs
__scs_entry_jumppad:
0x0: {  	(pc) =	sbr.rel $0x88, $3  }
0x1: {  	(tag) =	ssettag $0x0;
	lr =	simm.s32 $0x1  }
0x2: {  	[smem:$0x3F9B] =	sst lr;
	_ =	strace $0xD0000000  }
0x3: {  	_ = 	snop  }
0x4: {  	_ = 	snop  }
0x5: {  	_ = 	snop  }
0x6: {  	_ = 	snop  }
0x7: {  	_ = 	snop  }
__scs_overlays_trampoline_lowered:
0x8: {  	[smem:$0x3FAA] =	sst s0  }
0x9: {  	[smem:$0x3FAB] =	sst s1  }
0xa: {  	[smem:$0x3FAC] =	sst s2  }
0xb: {  	[smem:$0x3FAD] =	sst s3  }
0xc: {  	[smem:$0x3FAE] =	sst s4  }
0xd: {  	[smem:$0x3FAF] =	sst s5  }
0xe: {  	[smem:$0x3FB0] =	sst s6  }
0xf: {  	[smem:$0x3FB1] =	sst s7  }
0x10: {  	[smem:$0x3FB2] =	sst s8  }
0x11: {  	[smem:$0x3FB3] =	sst s9;
	s0 =	simm.s32 @!p0 $0x0  }
0x12: {  	s1 =	sld [smem:$0x3F99];
	s0 =	simm.s32 @p0 $0x1  }
0x13: {  	[smem:$0x3FB4] =	sst s0;
	s0 =	simm.s32 @!p1 $0x0  }
0x14: {  	s2 =	sld [smem:$0x3F98];
	s0 =	simm.s32 @p1 $0x1  }
0x15: {  	[smem:$0x3FB5] =	sst s0;
	s0 =	simm.s32 @!p2 $0x0  }
0x16: {  	s3 =	sld [smem:$0x3FDB];
	s0 =	simm.s32 @p2 $0x1  }
0x17: {  	s4 =	simm.s32 $0x1BF5;
	[smem:$0x3FB7] =	sst s0  }
0x18: {  	s0 =	sld [smem:$0x3F9A];
	_ =	swait.ge [sflag:s4], $0x0  }
0x19: {  	s7 =	sld [smem:$0x3F9B]  }
0x1a: {  	s8 =	sadd.s32 $0xFFFFE003, lr  }
0x1b: {  	s9 =	sadd.s32 $0xFFFFFEF7, lr;
	s5 =	simm.s32 $0xFFFFFFFF;
	p2 =	slt.u32 s8, $0xFFFFF086  }
0x1c: {  	p1 =	slt.u32 s9, $0xF7A;
	s5 =	simm.s32 @!p2 $0x0  }
0x1d: {  	s5 =	simm.s32 @p1 $0x1;
	p0 =	seq.s32 s7, s2  }
0x1e: {  	s7 =	smul.u32 @!p0 $0xF7A, s2;
	p2 =	seq.s32 @!p0 s5, $0x0  }
0x1f: {  	s9 =	smul.u32 $0xF7A, s1;
	s8 =	simm.s32 @!p0 $0x1BF5;
	p2 =	por !p2, p0  }
0x20: {  	[sflag:s8] =	ssyncset.s32 @!p0 $0xFFFFF086;
	s6 =	sadd.s32 @!p0 s3, s7;
	s7 =	simm.s32 @!p0 $0x108  }
0x21: {  	s3 =	sadd.s32 s3, s9;
	s6 =	sadd.s32 @!p0 $0x88, s6;
	s7 =	simm.s32 @p2 $0x1082  }
0x22: {  	[simem:s7], [sflag:s8] =	dma.local @!p0 [hbm:s6], $0xF7A  }
0x23: {  	s9 =	sor.u32 $0xD0000000, s2;
	s6 =	simm.s32 $0x108;
	_ =	swait.ge @!p0 [sflag:s8], $0x0  }
0x24: {  	s3 =	sadd.s32 $0x88, s3;
	s6 =	simm.s32 @!p1 $0x1082;
	[sflag:s4] =	ssyncset.s32 $0xFFFFF086  }
0x25: {  	[simem:s6], [sflag:s4] =	dma.local [hbm:s3], $0xF7A  }
0x26: {  	[smem:$0x3F9B] =	sst s1;
	(tag) =	ssettag s2;
	_ =	strace s9  }
0x27: {  	s1 =	sld [smem:$0x3FAB]  }
0x28: {  	s2 =	sld [smem:$0x3FAC]  }
0x29: {  	s4 =	sld [smem:$0x3FAE]  }
0x2a: {  	p0 =	seq.s32 s5, $0x0;
	s5 =	sld [smem:$0x3FAF]  }
0x2b: {  	s6 =	sld [smem:$0x3FB0]  }
0x2c: {  	s7 =	sld [smem:$0x3FB1]  }
0x2d: {  	s3 =	simm.s32 $0x108;
	s8 =	sld [smem:$0x3FB2]  }
0x2e: {  	s3 =	simm.s32 @!p0 $0x1082;
	s9 =	sld [smem:$0x3FB3]  }
0x2f: {  	lr =	sadd.s32 s0, s3;
	s0 =	sld [smem:$0x3FAA]  }
0x30: {  	s3 =	sld [smem:$0x3FAD]  }
0x31: {  	[smem:$0x3FB6] =	sst s10  }
0x32: {  	s10 =	sld [smem:$0x3FB4];
	_ =	sdelay $0x3  }
0x33: {  	p0 =	seq.s32 s10, $0x1;
	s10 =	sld [smem:$0x3FB6];
	_ =	sdelay $0x3  }
0x34: {  	[smem:$0x3FB6] =	sst s10  }
0x35: {  	s10 =	sld [smem:$0x3FB5];
	_ =	sdelay $0x3  }
0x36: {  	p1 =	seq.s32 s10, $0x1;
	s10 =	sld [smem:$0x3FB6];
	_ =	sdelay $0x3  }
0x37: {  	[smem:$0x3FB6] =	sst s10  }
0x38: {  	s10 =	sld [smem:$0x3FB7]  }
0x39: {  	_ = 	snop;
	(pc) =	sbr.ind lr, $3  }
0x3a: {  	_ = 	snop  }
0x3b: {  	_ = 	snop  }
0x3c: {  	p2 =	seq.s32 s10, $0x1;
	s10 =	sld [smem:$0x3FB6]  }
0x3d: {  	_ =	shalt  }
0x3e: {  	_ =	shalt  }
0x3f: {  	_ =	shalt  }
0x40: {  	_ =	shalt  }
0x41: {  	_ =	shalt  }
0x42: {  	_ =	shalt  }
0x43: {  	_ =	shalt  }
0x44: {  	_ =	shalt  }
0x45: {  	_ =	shalt  }
0x46: {  	_ =	shalt  }
0x47: {  	_ =	shalt  }
0x48: {  	_ =	shalt  }
0x49: {  	_ =	shalt  }
0x4a: {  	_ =	shalt  }
0x4b: {  	_ =	shalt  }
0x4c: {  	_ =	shalt  }
0x4d: {  	_ =	shalt  }
0x4e: {  	_ =	shalt  }
0x4f: {  	_ =	shalt  }
0x50: {  	_ =	shalt  }
0x51: {  	_ =	shalt  }
0x52: {  	_ =	shalt  }
0x53: {  	_ =	shalt  }
0x54: {  	_ =	shalt  }
0x55: {  	_ =	shalt  }
0x56: {  	_ =	shalt  }
0x57: {  	_ =	shalt  }
0x58: {  	_ =	shalt  }
0x59: {  	_ =	shalt  }
0x5a: {  	_ =	shalt  }
0x5b: {  	_ =	shalt  }
0x5c: {  	_ =	shalt  }
0x5d: {  	_ =	shalt  }
0x5e: {  	_ =	shalt  }
0x5f: {  	_ =	shalt  }
0x60: {  	_ =	shalt  }
0x61: {  	_ =	shalt  }
0x62: {  	_ =	shalt  }
0x63: {  	_ =	shalt  }
0x64: {  	_ =	shalt  }
0x65: {  	_ =	shalt  }
0x66: {  	_ =	shalt  }
0x67: {  	_ =	shalt  }
0x68: {  	_ =	shalt  }
0x69: {  	_ =	shalt  }
0x6a: {  	_ =	shalt  }
0x6b: {  	_ =	shalt  }
0x6c: {  	_ =	shalt  }
0x6d: {  	_ =	shalt  }
0x6e: {  	_ =	shalt  }
0x6f: {  	_ =	shalt  }
0x70: {  	_ =	shalt  }
0x71: {  	_ =	shalt  }
0x72: {  	_ =	shalt  }
0x73: {  	_ =	shalt  }
0x74: {  	_ =	shalt  }
0x75: {  	_ =	shalt  }
0x76: {  	_ =	shalt  }
0x77: {  	_ =	shalt  }
0x78: {  	_ =	shalt  }
0x79: {  	_ =	shalt  }
0x7a: {  	_ =	shalt  }
0x7b: {  	_ =	shalt  }
0x7c: {  	_ =	shalt  }
0x7d: {  	_ =	shalt  }
0x7e: {  	_ =	shalt  }
0x7f: {  	_ =	shalt  }
0x80: {  	_ =	shalt  }
0x81: {  	_ =	shalt  }
0x82: {  	_ =	shalt  }
0x83: {  	_ =	shalt  }
0x84: {  	_ =	shalt  }
0x85: {  	_ =	shalt  }
0x86: {  	_ =	shalt  }
0x87: {  	_ =	shalt  }
.Lfunc_end0:
.L_simem_size_0:
called_computation.1_lowered:
.L_overlay_start_0:
0x88: {  	s2 =	sld [smem:$0x3FD9]  }
0x89: {  	s3 =	sld [smem:$0x3FFE];
	_ =	sdelay $0x1  }
0x8a: {  	s1 =	srdreg.scid  }
0x8b: {  	s0 =	sand.u32 $0x1, s1  }
0x8c: {  	s17 =	sshll.u32 s0, $0xA;
	s2 =	sadd.s32 s3, s2  }
0x8d: {  	s2 =	sadd.s32 s2, s17  }
0x8e: {  	[smem:$0x3FC2] =	sst s2  }
0x8f: {  	_ = 	snop  }
0x90: {  	s2 =	sld [smem:$0x3FD0];
	(tm) =	ssettm $0x1  }
0x91: {  	s18 =	sld [smem:$0x3FFB];
	_ =	sdelay $0x3  }
0x92: {  	_ =	strace s18  }
0x93: {  	s3 =	sld [smem:$0x3FFC];
	_ =	sdelay $0x3  }
0x94: {  	_ =	strace s3  }
0x95: {  	s3 =	sld [smem:$0x3FFD];
	_ =	sdelay $0x3  }
0x96: {  	_ =	strace s3  }
0x97: {  	_ =	strace $0x8FFFFFFF  }
0x98: {  	s19 =	sld [smem:$0x3FDB];
	_ =	sdelay $0x1  }
0x99: {  	s4 =	simm.s32 $_scs_section_size  }
0x9a: {  	s5 =	simm.s32 $_size__tile_overlayer_lowered;
	s6 =	simm.s32 $_tile_overlayer_lowered  }
0x9b: {  	s22 =	simm.s32 $0x1BFF;
	s21 =	sshll.u32 s6, $0x1;
	s3 =	sadd.s32 s4, s19  }
0x9c: {  	s7 =	simm.s32 $0x0;
	s20 =	sshll.u32 s5, $0x1;
	s5 =	sadd.s32 s21, s3  }
0x9d: {  	[timem:s7], [sflag:s22] =	dma.local [hbm:s5], s20  }
0x9e: {  	_ =	swait.ge [sflag:s22], s20  }
0x9f: {  	s4 =	ssub.s32 $0x0, s20;
	[sflag:s22] =	ssyncset.done $0x0  }
0xa0: {  	[sflag:s22] =	ssyncadd.s32 s4;
	_ =	sdelay $0x1  }
0xa1: {  	s23 =	simm.s32 $0x1B8B  }
0xa2: {  	_ =	swait.ge [sflag:s23], $0x1  }
0xa3: {  	[sflag:s23] =	ssyncset.done $0x0  }
0xa4: {  	s25 =	simm.s32 $0x1B8E;
	s24 =	sld [smem:$0x3FFE];
	[sflag:s23] =	ssyncadd.s32 $0xFFFFFFFF  }
0xa5: {  	s26 =	simm.s32 $execute0_lowered;
	[smem:$0x3FD2] =	sst s25  }
0xa6: {  	s5 =	sshll.u32 s26, $0x1;
	_ =	strace $0x80000049;
	[dreg:$0x1] =	wrdreg $0xFFFFFFFF  }
0xa7: {  	s28 =	simm.s32 $_size_execute0_lowered;
	s3 =	sadd.s32 s3, s5;
	[dreg:$0x0] =	wrdreg $0x0  }
0xa8: {  	s5 =	sshll.u32 s28, $0x1;
	[dreg:$0x2] =	wrdreg s3  }
0xa9: {  	[dreg:$0x3] =	wrdreg s5  }
0xaa: {  	[dreg:$0x4] =	wrdreg $0xC0  }
0xab: {  	_ =	task [dreg:s7], $0x5FFFF  }
0xac: {  	[dreg:$0x1] =	wrdreg $0xFFFFFFFF  }
0xad: {  	[dreg:$0x0] =	wrdreg $0x60  }
0xae: {  	[dreg:$0x2] =	wrdreg s2  }
0xaf: {  	[dreg:$0x3] =	wrdreg s24  }
0xb0: {  	[dreg:$0x4] =	wrdreg $0xB0000  }
0xb1: {  	[dreg:$0x5] =	wrdreg $0x9  }
0xb2: {  	_ =	task.clear_ibuf [dreg:s7], $0x6FFFF;
	_ =	strace $0x90000049  }
0xb3: {  	s29 =	simm.s32 $0x9;
	_ =	strace $0x8000004B  }
0xb4: {  	_ =	swait.ge [sflag:s29], $0x1  }
0xb5: {  	[sflag:s29] =	ssyncadd.s32 $0xFFFFFFFF  }
0xb6: {  	_ =	strace $0x9000004B  }
0xb7: {  	_ =	sfence  }
0xb8: {  	s30 =	sld [smem:$0x0];
	_ =	sdelay $0x2  }
0xb9: {  	s31 =	sshll.u32 s1, $0xD;
	s1 =	sshrl.u32 s1, $0x2  }
0xba: {  	s3 =	sand.u32 $0x4000, s31;
	s1 =	sadd.s32 s1, s30  }
0xbb: {  	s0 =	sor.u32 s3, s0;
	s1 =	sshll.u32 s1, $0x11  }
0xbc: {  	s0 =	sor.u32 s1, s0  }
0xbd: {  	s0 =	sadd.s32 $0x8F2B, s0  }
0xbe: {  	[sflag:s0] =	ssyncadd.remote.s32 $0x1  }
0xbf: {  	_ =	sfence.sel $0xFFFF  }
0xc0: {  	[dreg:$0x0] =	wrdreg $0xFFFFFFFF;
	(pc) =	sbr.abs _section_cstart, $3  }
0xc1: {  	[dreg:$0x1] =	wrdreg $0xFFFFFFFF  }
0xc2: {  	_ =	task.clear_ibuf [dreg:s7], $0x2FFFF;
	_ =	strace $0x9FFFFFFF  }
0xc3: {  	(tm) =	ssettm $0x7FFFFFFF  }
tec
execute0_lowered:
.L_overlay_start_1:
0x0: {  	(tag) =	ssettag $0x1  }
0x1: {  	s1 =	rddreg [dreg:$0x0]  }
0x2: {  	s0 =	rddreg [dreg:$0x1]  }
0x3: {  	s2 =	rddreg [dreg:$0x2];
	s3 =	simm.s32 $0x0;
	s4 =	srdreg.scid  }
0x4: {  	s11 =	stileid.u32;
	[smem:$0x7FF] =	sst s3;
	s4 =	sand.u32 $0x1, s4  }
0x5: {  	s6 =	sadd.s32 $0xCC00, s0;
	s7 =	smul.u32 $0x14000, s11;
	s8 =	sshll.u32 s11, $0x1  }
0x6: {  	s9 =	sadd.s32 $0x2C00, s0;
	s10 =	sadd.s32 $0x16C00, s0;
	s11 =	smul.u32 $0x50000, s11  }
0x7: {  	s5 =	smul.u32 $0x140000, s4;
	s8 =	sor.u32 s4, s8;
	s4 =	ssub.s32 $0x2, s4  }
0x8: {  	_ =	strace $0x8000004A;
	s8 =	smul.u32 $0x2800, s8;
	s13 =	sshrl.u32 s4, $0x1  }
0x9: {  	[dreg:$0x4] =	wrdreg s10;
	s5 =	sadd.s32 s7, s5;
	s4 =	ssub.s32 s4, s13  }
0xa: {  	s5 =	sshrl.u32 s5, $0x3;
	s14 =	sshrl.u32 s8, $0x3;
	s4 =	smax.u32 s4, $0x1  }
0xb: {  	s0 =	sadd.s32 s5, s0;
	s8 =	sadd.s32 s6, s14;
	[dreg:$0xa] =	wrdreg s4  }
0xc: {  	s16 =	sadd.s32 $0x280, s14;
	s5 =	sadd.s32 s9, s14;
	[dreg:$0x5] =	wrdreg s8  }
0xd: {  	[dreg:$0x6] =	wrdreg s5;
	s17 =	sadd.s32 s6, s16  }
0xe: {  	s15 =	sshrl.u32 s11, $0x2;
	s18 =	sadd.s32 s9, s16;
	[dreg:$0x7] =	wrdreg s17  }
0xf: {  	s8 =	sadd.s32 s15, s2;
	s0 =	sadd.s32 $0x16E00, s0;
	[dreg:$0x8] =	wrdreg s18  }
0x10: {  	[dreg:$0x9] =	wrdreg s0;
	s20 =	sadd.s32 $0x800, s8  }
0x11: {  	s21 =	sadd.s32 $0x1000, s8;
	[dreg:$0xb] =	wrdreg s20  }
0x12: {  	s22 =	sadd.s32 $0x1800, s8;
	[dreg:$0xc] =	wrdreg s21  }
0x13: {  	s23 =	sadd.s32 $0x2000, s8;
	[dreg:$0xd] =	wrdreg s22  }
0x14: {  	s24 =	sadd.s32 $0x2800, s8;
	[dreg:$0xe] =	wrdreg s23  }
0x15: {  	s25 =	sadd.s32 $0x3000, s8;
	[dreg:$0xf] =	wrdreg s24  }
0x16: {  	s26 =	sadd.s32 $0x3800, s8;
	[dreg:$0x10] =	wrdreg s25  }
0x17: {  	s5 =	sadd.s32 $0x4000, s8;
	[dreg:$0x11] =	wrdreg s26  }
0x18: {  	s6 =	sadd.s32 $0x4800, s8;
	[dreg:$0x12] =	wrdreg s5  }
0x19: {  	s19 =	sadd.s32 s7, s2;
	s7 =	sadd.s32 $0x5000, s8;
	[dreg:$0x13] =	wrdreg s6  }
0x1a: {  	s9 =	sadd.s32 $0x5800, s8;
	[dreg:$0x14] =	wrdreg s7  }
0x1b: {  	s10 =	sadd.s32 $0x6000, s8;
	[dreg:$0x15] =	wrdreg s9  }
0x1c: {  	s0 =	sshrl.u32 s19, $0x3;
	[dreg:$0x16] =	wrdreg s10  }
0x1d: {  	s11 =	sadd.s32 $0x6800, s8;
	[dreg:$0x17] =	wrdreg s0  }
0x1e: {  	s12 =	sadd.s32 $0x7000, s8;
	[dreg:$0x18] =	wrdreg s11  }
0x1f: {  	s13 =	sadd.s32 $0x7800, s8;
	[dreg:$0x19] =	wrdreg s12  }
0x20: {  	s14 =	sadd.s32 $0x8000, s8;
	[dreg:$0x1a] =	wrdreg s13  }
0x21: {  	s15 =	sadd.s32 $0x8800, s8;
	[dreg:$0x1b] =	wrdreg s14  }
0x22: {  	s16 =	sadd.s32 $0x9000, s8;
	[dreg:$0x1c] =	wrdreg s15  }
0x23: {  	s28 =	simm.s32 $0xA800;
	s17 =	sadd.s32 $0x9800, s8;
	[dreg:$0x1d] =	wrdreg s16  }
0x24: {  	s29 =	simm.s32 $0x4;
	s18 =	sadd.s32 $0xA000, s8;
	[dreg:$0x1e] =	wrdreg s17  }
0x25: {  	s30 =	simm.s32 $0x2;
	s19 =	sadd.s32 $0xA800, s8;
	[dreg:$0x1f] =	wrdreg s18  }
0x26: {  	s31 =	simm.s32 $0x1;
	s4 =	simm.s32 $0x2800;
	[smem:$0x7F6] =	sst s19  }
0x27: {  	s20 =	sadd.s32 $0xB000, s8;
	s21 =	sadd.s32 $0xB800, s8;
	s22 =	sadd.s32 $0xC000, s8  }
0x28: {  	s23 =	sadd.s32 $0xC800, s8;
	s24 =	sadd.s32 $0xD000, s8;
	s25 =	sadd.s32 $0xD800, s8  }
0x29: {  	s26 =	sadd.s32 $0xE000, s8;
	s15 =	sadd.s32 $0xE800, s8;
	[smem:$0x7F7] =	sst s20  }
0x2a: {  	s16 =	sadd.s32 $0xF000, s8;
	s17 =	sadd.s32 $0xF800, s8;
	[smem:$0x7F8] =	sst s21  }
0x2b: {  	s18 =	sadd.s32 $0x10000, s8;
	s19 =	sadd.s32 $0x10800, s8;
	[smem:$0x7F9] =	sst s22  }
0x2c: {  	s0 =	simm.s32 $0x80;
	s5 =	simm.s32 $0x6800;
	[smem:$0x7FA] =	sst s23  }
0x2d: {  	s6 =	simm.s32 $0x3;
	s7 =	simm.s32 $0x1380;
	[smem:$0x7FB] =	sst s24  }
0x2e: {  	s9 =	simm.s32 $0x2700;
	s10 =	simm.s32 $0x2780;
	[smem:$0x7FC] =	sst s25  }
0x2f: {  	s11 =	simm.s32 $0x0;
	[smem:$0x7FD] =	sst s26;
	s20 =	sadd.s32 $0x11000, s8  }
0x30: {  	s21 =	sadd.s32 $0x11800, s8;
	s22 =	sadd.s32 $0x12000, s8;
	s23 =	sadd.s32 $0x12800, s8  }
0x31: {  	s24 =	sadd.s32 $0x13000, s8;
	s25 =	sadd.s32 $0x13800, s8;
	s26 =	simm.s32 $0x1400  }
.LBB2_1:
0x32: {  	s12 =	rddreg [dreg:$0x5]  }
0x33: {  	[tilespmem:s3], [sflag:$0x1] =	stream.linear.gather [hbm4b:s12+s3], $0x1400, $0x38;
	[tilespmem:$0x1F000] =	vst v63  }
0x34: {  	s13 =	rddreg [dreg:$0x6]  }
0x35: {  	[tilespmem:s26], [sflag:$0x1] =	stream.linear.gather [hbm4b:s13+s3], $0x1400, $0x38;
	[tilespmem:$0x1F000] =	vst v63  }
0x36: {  	s14 =	rddreg [dreg:$0x4]  }
0x37: {  	[tilespmem:s28], [sflag:$0x4] =	stream.linear.gather [hbm4b:s14+s3], $0x800, $0x38;
	[tilespmem:$0x1F000] =	vst v63  }
0x38: {  	_ =	swait.ge [sflag:s29], $0x800  }
0x39: {  	[sflag:s29] =	ssyncset.done $0x0  }
0x3a: {  	s13 =	rddreg [dreg:$0xb];
	[sflag:s29] =	ssyncadd.s32 $0xFFFFF800  }
0x3b: {  	[spmem:s8] =	stream.linear.scatter [tilespmem:s28], [sflag:$0x2], $0x800, $0x38;
	[tilespmem:$0x1F000] =	vst v63  }
0x3c: {  	s14 =	rddreg [dreg:$0xc]  }
0x3d: {  	[spmem:s13] =	stream.linear.scatter [tilespmem:s28], [sflag:$0x2], $0x800, $0x38;
	[tilespmem:$0x1F000] =	vst v63  }
0x3e: {  	s13 =	rddreg [dreg:$0xd]  }
0x3f: {  	[spmem:s14] =	stream.linear.scatter [tilespmem:s28], [sflag:$0x2], $0x800, $0x38;
	[tilespmem:$0x1F000] =	vst v63  }
0x40: {  	s14 =	rddreg [dreg:$0xe]  }
0x41: {  	[spmem:s13] =	stream.linear.scatter [tilespmem:s28], [sflag:$0x2], $0x800, $0x38;
	[tilespmem:$0x1F000] =	vst v63  }
0x42: {  	s13 =	rddreg [dreg:$0xf]  }
0x43: {  	[spmem:s14] =	stream.linear.scatter [tilespmem:s28], [sflag:$0x2], $0x800, $0x38;
	[tilespmem:$0x1F000] =	vst v63  }
0x44: {  	s14 =	rddreg [dreg:$0x10]  }
0x45: {  	[spmem:s13] =	stream.linear.scatter [tilespmem:s28], [sflag:$0x2], $0x800, $0x38;
	[tilespmem:$0x1F000] =	vst v63  }
0x46: {  	s13 =	rddreg [dreg:$0x11]  }
0x47: {  	[spmem:s14] =	stream.linear.scatter [tilespmem:s28], [sflag:$0x2], $0x800, $0x38;
	[tilespmem:$0x1F000] =	vst v63  }
0x48: {  	s14 =	rddreg [dreg:$0x12]  }
0x49: {  	[spmem:s13] =	stream.linear.scatter [tilespmem:s28], [sflag:$0x2], $0x800, $0x38;
	[tilespmem:$0x1F000] =	vst v63  }
0x4a: {  	s13 =	rddreg [dreg:$0x13]  }
0x4b: {  	[spmem:s14] =	stream.linear.scatter [tilespmem:s28], [sflag:$0x2], $0x800, $0x38;
	[tilespmem:$0x1F000] =	vst v63  }
0x4c: {  	s14 =	rddreg [dreg:$0x14]  }
0x4d: {  	[spmem:s13] =	stream.linear.scatter [tilespmem:s28], [sflag:$0x2], $0x800, $0x38;
	[tilespmem:$0x1F000] =	vst v63  }
0x4e: {  	s13 =	rddreg [dreg:$0x15]  }
0x4f: {  	[spmem:s14] =	stream.linear.scatter [tilespmem:s28], [sflag:$0x2], $0x800, $0x38;
	[tilespmem:$0x1F000] =	vst v63  }
0x50: {  	s14 =	rddreg [dreg:$0x16]  }
0x51: {  	[spmem:s13] =	stream.linear.scatter [tilespmem:s28], [sflag:$0x2], $0x800, $0x38;
	[tilespmem:$0x1F000] =	vst v63  }
0x52: {  	s13 =	rddreg [dreg:$0x18]  }
0x53: {  	[spmem:s14] =	stream.linear.scatter [tilespmem:s28], [sflag:$0x2], $0x800, $0x38;
	[tilespmem:$0x1F000] =	vst v63  }
0x54: {  	s14 =	rddreg [dreg:$0x19]  }
0x55: {  	[spmem:s13] =	stream.linear.scatter [tilespmem:s28], [sflag:$0x2], $0x800, $0x38;
	[tilespmem:$0x1F000] =	vst v63  }
0x56: {  	s13 =	rddreg [dreg:$0x1a]  }
0x57: {  	[spmem:s14] =	stream.linear.scatter [tilespmem:s28], [sflag:$0x2], $0x800, $0x38;
	[tilespmem:$0x1F000] =	vst v63  }
0x58: {  	s14 =	rddreg [dreg:$0x1b]  }
0x59: {  	[spmem:s13] =	stream.linear.scatter [tilespmem:s28], [sflag:$0x2], $0x800, $0x38;
	[tilespmem:$0x1F000] =	vst v63  }
0x5a: {  	s13 =	rddreg [dreg:$0x1c]  }
0x5b: {  	[spmem:s14] =	stream.linear.scatter [tilespmem:s28], [sflag:$0x2], $0x800, $0x38;
	[tilespmem:$0x1F000] =	vst v63  }
0x5c: {  	s14 =	rddreg [dreg:$0x1d]  }
0x5d: {  	[spmem:s13] =	stream.linear.scatter [tilespmem:s28], [sflag:$0x2], $0x800, $0x38;
	[tilespmem:$0x1F000] =	vst v63  }
0x5e: {  	s13 =	rddreg [dreg:$0x1e]  }
0x5f: {  	[spmem:s14] =	stream.linear.scatter [tilespmem:s28], [sflag:$0x2], $0x800, $0x38;
	[tilespmem:$0x1F000] =	vst v63  }
0x60: {  	s14 =	rddreg [dreg:$0x1f]  }
0x61: {  	[spmem:s13] =	stream.linear.scatter [tilespmem:s28], [sflag:$0x2], $0x800, $0x38;
	[tilespmem:$0x1F000] =	vst v63  }
0x62: {  	s13 =	sld [smem:$0x7F6]  }
0x63: {  	[spmem:s14] =	stream.linear.scatter [tilespmem:s28], [sflag:$0x2], $0x800, $0x38;
	[tilespmem:$0x1F000] =	vst v63  }
0x64: {  	s14 =	sld [smem:$0x7F7]  }
0x65: {  	[spmem:s13] =	stream.linear.scatter [tilespmem:s28], [sflag:$0x2], $0x800, $0x38;
	[tilespmem:$0x1F000] =	vst v63  }
0x66: {  	s13 =	sld [smem:$0x7F8]  }
0x67: {  	[spmem:s14] =	stream.linear.scatter [tilespmem:s28], [sflag:$0x2], $0x800, $0x38;
	[tilespmem:$0x1F000] =	vst v63  }
0x68: {  	s14 =	sld [smem:$0x7F9]  }
0x69: {  	[spmem:s13] =	stream.linear.scatter [tilespmem:s28], [sflag:$0x2], $0x800, $0x38;
	[tilespmem:$0x1F000] =	vst v63  }
0x6a: {  	s13 =	sld [smem:$0x7FA]  }
0x6b: {  	[spmem:s14] =	stream.linear.scatter [tilespmem:s28], [sflag:$0x2], $0x800, $0x38;
	[tilespmem:$0x1F000] =	vst v63  }
0x6c: {  	s14 =	sld [smem:$0x7FB]  }
0x6d: {  	[spmem:s13] =	stream.linear.scatter [tilespmem:s28], [sflag:$0x2], $0x800, $0x38;
	[tilespmem:$0x1F000] =	vst v63  }
0x6e: {  	s13 =	sld [smem:$0x7FC]  }
0x6f: {  	[spmem:s14] =	stream.linear.scatter [tilespmem:s28], [sflag:$0x2], $0x800, $0x38;
	[tilespmem:$0x1F000] =	vst v63  }
0x70: {  	s14 =	sld [smem:$0x7FD]  }
0x71: {  	[spmem:s13] =	stream.linear.scatter [tilespmem:s28], [sflag:$0x2], $0x800, $0x38;
	[tilespmem:$0x1F000] =	vst v63  }
0x72: {  	_ = 	snop  }
0x73: {  	[spmem:s14] =	stream.linear.scatter [tilespmem:s28], [sflag:$0x2], $0x800, $0x38;
	[tilespmem:$0x1F000] =	vst v63  }
0x74: {  	_ = 	snop  }
0x75: {  	[spmem:s15] =	stream.linear.scatter [tilespmem:s28], [sflag:$0x2], $0x800, $0x38;
	[tilespmem:$0x1F000] =	vst v63  }
0x76: {  	_ = 	snop  }
0x77: {  	[spmem:s16] =	stream.linear.scatter [tilespmem:s28], [sflag:$0x2], $0x800, $0x38;
	[tilespmem:$0x1F000] =	vst v63  }
0x78: {  	_ = 	snop  }
0x79: {  	[spmem:s17] =	stream.linear.scatter [tilespmem:s28], [sflag:$0x2], $0x800, $0x38;
	[tilespmem:$0x1F000] =	vst v63  }
0x7a: {  	_ = 	snop  }
0x7b: {  	[spmem:s18] =	stream.linear.scatter [tilespmem:s28], [sflag:$0x2], $0x800, $0x38;
	[tilespmem:$0x1F000] =	vst v63  }
0x7c: {  	_ = 	snop  }
0x7d: {  	[spmem:s19] =	stream.linear.scatter [tilespmem:s28], [sflag:$0x2], $0x800, $0x38;
	[tilespmem:$0x1F000] =	vst v63  }
0x7e: {  	_ = 	snop  }
0x7f: {  	[spmem:s20] =	stream.linear.scatter [tilespmem:s28], [sflag:$0x2], $0x800, $0x38;
	[tilespmem:$0x1F000] =	vst v63  }
0x80: {  	_ = 	snop  }
0x81: {  	[spmem:s21] =	stream.linear.scatter [tilespmem:s28], [sflag:$0x2], $0x800, $0x38;
	[tilespmem:$0x1F000] =	vst v63  }
0x82: {  	_ = 	snop  }
0x83: {  	[spmem:s22] =	stream.linear.scatter [tilespmem:s28], [sflag:$0x2], $0x800, $0x38;
	[tilespmem:$0x1F000] =	vst v63  }
0x84: {  	_ = 	snop  }
0x85: {  	[spmem:s23] =	stream.linear.scatter [tilespmem:s28], [sflag:$0x2], $0x800, $0x38;
	[tilespmem:$0x1F000] =	vst v63  }
0x86: {  	_ = 	snop  }
0x87: {  	[spmem:s24] =	stream.linear.scatter [tilespmem:s28], [sflag:$0x2], $0x800, $0x38;
	[tilespmem:$0x1F000] =	vst v63  }
0x88: {  	_ = 	snop  }
0x89: {  	[spmem:s25] =	stream.linear.scatter [tilespmem:s28], [sflag:$0x2], $0x800, $0x38;
	[tilespmem:$0x1F000] =	vst v63  }
0x8a: {  	_ =	swait.ge [sflag:s30], $0x800  }
0x8b: {  	s12 =	simm.s32 $0x27;
	[sflag:s30] =	ssyncset.done $0x0  }
.LBB2_2:
0x8c: {  	p0 =	sne.s32 s12, $0x1;
	s12 =	sadd.s32 $0xFFFFFFFF, s12;
	[sflag:s30] =	ssyncadd.s32 $0xFFFFF800  }
.Ltmp0:
0x8d: {  	(pc) =	sbr.rel @p0 .LBB2_2-.Ltmp0, $3  }
0x8e: {  	_ =	sdelay $0x1  }
0x8f: {  	_ =	swait.ge [sflag:s30], $0x800  }
0x90: {  	[sflag:s30] =	ssyncset.done $0x0  }
0x91: {  	[sflag:s30] =	ssyncadd.s32 $0xFFFFF800  }
0x92: {  	_ =	swait.ge [sflag:s31], $0x1400  }
0x93: {  	[sflag:s31] =	ssyncset.done $0x0  }
0x94: {  	[sflag:s31] =	ssyncadd.s32 $0xFFFFEC00  }
0x95: {  	_ =	swait.ge [sflag:s31], $0x1400  }
0x96: {  	[sflag:s31] =	ssyncset.done $0x0  }
0x97: {  	[sflag:s31] =	ssyncadd.s32 $0xFFFFEC00  }
0x98: {  	s12 =	simm.s32 $0x0;
	[bflag:$0x0] =	sbarrier.arrive $0xFFFF  }
0x99: {  	[tilespmem:s4], [sflag:$0x2] =	stream.indirect.gather [hbm4b:s1+s0], $0x80, s12, s0, $0xb8;
	[tilespmem:$0x1F000] =	vst v63  }
0x9a: {  	_ =	swait.ge [sflag:s30], $0x4000  }
0x9b: {  	[sflag:s30] =	ssyncset.done $0x0  }
0x9c: {  	s13 =	simm.s32 $0x80;
	[sflag:s30] =	ssyncadd.s32 $0xFFFFC000  }
0x9d: {  	[tilespmem:s5], [sflag:$0x3] =	stream.indirect.gather [hbm4b:s1+s0], $0x80, s13, s0, $0xb8;
	[tilespmem:$0x1F000] =	vst v63  }
0x9e: {  	s14 =	simm.s32 $0x1400  }
0x9f: {  	[spmem:s2] =	stream.indirect.scatter.add.f32 [tilespmem:s4], [sflag:$0x4], $0x80, s14, s0, $0xb8;
	[tilespmem:$0x1F000] =	vst v63  }
0xa0: {  	_ =	swait.ge [sflag:s29], $0x4000  }
0xa1: {  	[sflag:s29] =	ssyncset.done $0x0  }
0xa2: {  	[sflag:s29] =	ssyncadd.s32 $0xFFFFC000  }
0xa3: {  	_ =	swait.ge [sflag:s6], $0x4000  }
0xa4: {  	[sflag:s6] =	ssyncset.done $0x0  }
0xa5: {  	s13 =	simm.s32 $0x100;
	[sflag:s6] =	ssyncadd.s32 $0xFFFFC000  }
0xa6: {  	[tilespmem:s4], [sflag:$0x2] =	stream.indirect.gather [hbm4b:s1+s0], $0x80, s13, s0, $0xb8;
	[tilespmem:$0x1F000] =	vst v63  }
0xa7: {  	s14 =	simm.s32 $0x1480  }
0xa8: {  	[spmem:s2] =	stream.indirect.scatter.add.f32 [tilespmem:s5], [sflag:$0x4], $0x80, s14, s0, $0xb8;
	[tilespmem:$0x1F000] =	vst v63  }
0xa9: {  	_ =	swait.ge [sflag:s29], $0x4000  }
0xaa: {  	s12 =	simm.s32 $0x400;
	[sflag:s29] =	ssyncset.done $0x0  }
.LBB2_4:
0xab: {  	p0 =	sne.s32 s12, $0x4800  }
0xac: {  	[sflag:s29] =	ssyncadd.s32 $0xFFFFC000;
	s13 =	smov.u32 s12;
	s12 =	sadd.s32 $0x400, s12  }
0xad: {  	_ = 	snop  }
0xae: {  	_ =	swait.ge [sflag:s30], $0x4000  }
0xaf: {  	s13 =	sshra.s32 s13, $0x2;
	[sflag:s30] =	ssyncset.done $0x0  }
0xb0: {  	s14 =	sadd.s32 $0x80, s13;
	[sflag:s30] =	ssyncadd.s32 $0xFFFFC000  }
0xb1: {  	[tilespmem:s5], [sflag:$0x3] =	stream.indirect.gather [hbm4b:s1+s0], $0x80, s14, s0, $0xb8;
	[tilespmem:$0x1F000] =	vst v63  }
0xb2: {  	s14 =	sadd.s32 $0x1400, s13  }
0xb3: {  	[spmem:s2] =	stream.indirect.scatter.add.f32 [tilespmem:s4], [sflag:$0x4], $0x80, s14, s0, $0xb8;
	[tilespmem:$0x1F000] =	vst v63  }
0xb4: {  	_ =	swait.ge [sflag:s29], $0x4000  }
0xb5: {  	[sflag:s29] =	ssyncset.done $0x0  }
0xb6: {  	[sflag:s29] =	ssyncadd.s32 $0xFFFFC000  }
0xb7: {  	_ =	swait.ge [sflag:s6], $0x4000  }
0xb8: {  	[sflag:s6] =	ssyncset.done $0x0  }
0xb9: {  	s14 =	sadd.s32 $0x100, s13;
	[sflag:s6] =	ssyncadd.s32 $0xFFFFC000  }
0xba: {  	[tilespmem:s4], [sflag:$0x2] =	stream.indirect.gather [hbm4b:s1+s0], $0x80, s14, s0, $0xb8;
	[tilespmem:$0x1F000] =	vst v63  }
.Ltmp1:
0xbb: {  	_ = 	snop;
	(pc) =	sbr.rel @p0 .LBB2_4-.Ltmp1, $4  }
0xbc: {  	s13 =	sadd.s32 $0x1480, s13  }
0xbd: {  	[spmem:s2] =	stream.indirect.scatter.add.f32 [tilespmem:s5], [sflag:$0x4], $0x80, s13, s0, $0xb8;
	[tilespmem:$0x1F000] =	vst v63  }
0xbe: {  	_ =	swait.ge [sflag:s29], $0x4000  }
0xbf: {  	[sflag:s29] =	ssyncset.done $0x0  }
0xc0: {  	[sflag:s29] =	ssyncadd.s32 $0xFFFFC000  }
0xc1: {  	_ =	swait.ge [sflag:s30], $0x4000  }
0xc2: {  	[sflag:s30] =	ssyncset.done $0x0  }
0xc3: {  	[sflag:s30] =	ssyncadd.s32 $0xFFFFC000  }
0xc4: {  	[tilespmem:s5], [sflag:$0x3] =	stream.indirect.gather [hbm4b:s1+s0], $0x80, s7, s0, $0xb8;
	[tilespmem:$0x1F000] =	vst v63  }
0xc5: {  	_ = 	snop  }
0xc6: {  	[spmem:s2] =	stream.indirect.scatter.add.f32 [tilespmem:s4], [sflag:$0x4], $0x80, s9, s0, $0xb8;
	[tilespmem:$0x1F000] =	vst v63  }
0xc7: {  	_ =	swait.ge [sflag:s29], $0x4000  }
0xc8: {  	[sflag:s29] =	ssyncset.done $0x0  }
0xc9: {  	[sflag:s29] =	ssyncadd.s32 $0xFFFFC000  }
0xca: {  	_ =	swait.ge [sflag:s6], $0x4000  }
0xcb: {  	[sflag:s6] =	ssyncset.done $0x0  }
0xcc: {  	[sflag:s6] =	ssyncadd.s32 $0xFFFFC000  }
0xcd: {  	[spmem:s2] =	stream.indirect.scatter.add.f32 [tilespmem:s5], [sflag:$0x4], $0x80, s10, s0, $0xb8;
	[tilespmem:$0x1F000] =	vst v63  }
0xce: {  	_ =	swait.ge [sflag:s29], $0x4000  }
0xcf: {  	[sflag:s29] =	ssyncset.done $0x0  }
0xd0: {  	s12 =	simm.s32 $0x0;
	s13 =	rddreg [dreg:$0x7];
	[sflag:s29] =	ssyncadd.s32 $0xFFFFC000  }
0xd1: {  	[tilespmem:s12], [sflag:$0x1] =	stream.linear.gather [hbm4b:s13+s12], $0x1400, $0x38;
	[tilespmem:$0x1F000] =	vst v63  }
0xd2: {  	s14 =	rddreg [dreg:$0x8]  }
0xd3: {  	[tilespmem:s26], [sflag:$0x1] =	stream.linear.gather [hbm4b:s14+s12], $0x1400, $0x38;
	[tilespmem:$0x1F000] =	vst v63  }
0xd4: {  	_ =	swait.ge [sflag:s31], $0x1400  }
0xd5: {  	[sflag:s31] =	ssyncset.done $0x0  }
0xd6: {  	[sflag:s31] =	ssyncadd.s32 $0xFFFFEC00  }
0xd7: {  	_ =	swait.ge [sflag:s31], $0x1400  }
0xd8: {  	[sflag:s31] =	ssyncset.done $0x0  }
0xd9: {  	[sflag:s31] =	ssyncadd.s32 $0xFFFFEC00  }
0xda: {  	[tilespmem:s4], [sflag:$0x2] =	stream.indirect.gather [hbm4b:s1+s0], $0x80, s12, s0, $0xb8;
	[tilespmem:$0x1F000] =	vst v63  }
0xdb: {  	_ =	swait.ge [sflag:s30], $0x4000  }
0xdc: {  	[sflag:s30] =	ssyncset.done $0x0  }
0xdd: {  	s13 =	simm.s32 $0x80;
	[sflag:s30] =	ssyncadd.s32 $0xFFFFC000  }
0xde: {  	[tilespmem:s5], [sflag:$0x3] =	stream.indirect.gather [hbm4b:s1+s0], $0x80, s13, s0, $0xb8;
	[tilespmem:$0x1F000] =	vst v63  }
0xdf: {  	s14 =	simm.s32 $0x1400  }
0xe0: {  	[spmem:s2] =	stream.indirect.scatter.add.f32 [tilespmem:s4], [sflag:$0x4], $0x80, s14, s0, $0xb8;
	[tilespmem:$0x1F000] =	vst v63  }
0xe1: {  	_ =	swait.ge [sflag:s29], $0x4000  }
0xe2: {  	[sflag:s29] =	ssyncset.done $0x0  }
0xe3: {  	[sflag:s29] =	ssyncadd.s32 $0xFFFFC000  }
0xe4: {  	_ =	swait.ge [sflag:s6], $0x4000  }
0xe5: {  	[sflag:s6] =	ssyncset.done $0x0  }
0xe6: {  	s13 =	simm.s32 $0x100;
	[sflag:s6] =	ssyncadd.s32 $0xFFFFC000  }
0xe7: {  	[tilespmem:s4], [sflag:$0x2] =	stream.indirect.gather [hbm4b:s1+s0], $0x80, s13, s0, $0xb8;
	[tilespmem:$0x1F000] =	vst v63  }
0xe8: {  	s14 =	simm.s32 $0x1480  }
0xe9: {  	[spmem:s2] =	stream.indirect.scatter.add.f32 [tilespmem:s5], [sflag:$0x4], $0x80, s14, s0, $0xb8;
	[tilespmem:$0x1F000] =	vst v63  }
0xea: {  	_ =	swait.ge [sflag:s29], $0x4000  }
0xeb: {  	s12 =	simm.s32 $0x400;
	[sflag:s29] =	ssyncset.done $0x0  }
.LBB2_6:
0xec: {  	p0 =	sne.s32 s12, $0x4800  }
0xed: {  	[sflag:s29] =	ssyncadd.s32 $0xFFFFC000;
	s13 =	smov.u32 s12;
	s12 =	sadd.s32 $0x400, s12  }
0xee: {  	_ = 	snop  }
0xef: {  	_ =	swait.ge [sflag:s30], $0x4000  }
0xf0: {  	s13 =	sshra.s32 s13, $0x2;
	[sflag:s30] =	ssyncset.done $0x0  }
0xf1: {  	s14 =	sadd.s32 $0x80, s13;
	[sflag:s30] =	ssyncadd.s32 $0xFFFFC000  }
0xf2: {  	[tilespmem:s5], [sflag:$0x3] =	stream.indirect.gather [hbm4b:s1+s0], $0x80, s14, s0, $0xb8;
	[tilespmem:$0x1F000] =	vst v63  }
0xf3: {  	s14 =	sadd.s32 $0x1400, s13  }
0xf4: {  	[spmem:s2] =	stream.indirect.scatter.add.f32 [tilespmem:s4], [sflag:$0x4], $0x80, s14, s0, $0xb8;
	[tilespmem:$0x1F000] =	vst v63  }
0xf5: {  	_ =	swait.ge [sflag:s29], $0x4000  }
0xf6: {  	[sflag:s29] =	ssyncset.done $0x0  }
0xf7: {  	[sflag:s29] =	ssyncadd.s32 $0xFFFFC000  }
0xf8: {  	_ =	swait.ge [sflag:s6], $0x4000  }
0xf9: {  	[sflag:s6] =	ssyncset.done $0x0  }
0xfa: {  	s14 =	sadd.s32 $0x100, s13;
	[sflag:s6] =	ssyncadd.s32 $0xFFFFC000  }
0xfb: {  	[tilespmem:s4], [sflag:$0x2] =	stream.indirect.gather [hbm4b:s1+s0], $0x80, s14, s0, $0xb8;
	[tilespmem:$0x1F000] =	vst v63  }
.Ltmp2:
0xfc: {  	_ = 	snop;
	(pc) =	sbr.rel @p0 .LBB2_6-.Ltmp2, $4  }
0xfd: {  	s13 =	sadd.s32 $0x1480, s13  }
0xfe: {  	[spmem:s2] =	stream.indirect.scatter.add.f32 [tilespmem:s5], [sflag:$0x4], $0x80, s13, s0, $0xb8;
	[tilespmem:$0x1F000] =	vst v63  }
0xff: {  	_ =	swait.ge [sflag:s29], $0x4000  }
0x100: {  	[sflag:s29] =	ssyncset.done $0x0  }
0x101: {  	[sflag:s29] =	ssyncadd.s32 $0xFFFFC000  }
0x102: {  	_ =	swait.ge [sflag:s30], $0x4000  }
0x103: {  	[sflag:s30] =	ssyncset.done $0x0  }
0x104: {  	[sflag:s30] =	ssyncadd.s32 $0xFFFFC000  }
0x105: {  	[tilespmem:s5], [sflag:$0x3] =	stream.indirect.gather [hbm4b:s1+s0], $0x80, s7, s0, $0xb8;
	[tilespmem:$0x1F000] =	vst v63  }
0x106: {  	_ = 	snop  }
0x107: {  	[spmem:s2] =	stream.indirect.scatter.add.f32 [tilespmem:s4], [sflag:$0x4], $0x80, s9, s0, $0xb8;
	[tilespmem:$0x1F000] =	vst v63  }
0x108: {  	_ =	swait.ge [sflag:s29], $0x4000  }
0x109: {  	[sflag:s29] =	ssyncset.done $0x0  }
0x10a: {  	[sflag:s29] =	ssyncadd.s32 $0xFFFFC000  }
0x10b: {  	_ =	swait.ge [sflag:s6], $0x4000  }
0x10c: {  	[sflag:s6] =	ssyncset.done $0x0  }
0x10d: {  	[sflag:s6] =	ssyncadd.s32 $0xFFFFC000  }
0x10e: {  	[spmem:s2] =	stream.indirect.scatter.add.f32 [tilespmem:s5], [sflag:$0x4], $0x80, s10, s0, $0xb8;
	[tilespmem:$0x1F000] =	vst v63  }
0x10f: {  	_ =	swait.ge [sflag:s29], $0x4000  }
0x110: {  	[sflag:s29] =	ssyncset.done $0x0  }
0x111: {  	[sflag:s29] =	ssyncadd.s32 $0xFFFFC000  }
0x112: {  	s12 =	stileid.u32;
	[bflag:$0x0] =	sbarrier.arrive $0xFFFF  }
0x113: {  	s12 =	sshll.u32 s12, $0x6;
	s13 =	rddreg [dreg:$0x9]  }
0x114: {  	s12 =	sor.u32 $0x1C04, s12;
	s14 =	rddreg [dreg:$0x17]  }
0x115: {  	[hbm:s13], [sflag:s12] =	dma.local [spmem:s14], $0x2800  }
0x116: {  	_ =	swait.ge [sflag:s29], $0x2800  }
0x117: {  	s11 =	sadd.s32 $0x1, s11;
	s14 =	rddreg [dreg:$0xa]  }
0x118: {  	p0 =	sne.s32 s11, s14  }
.Ltmp3:
0x119: {  	_ = 	snop;
	(pc) =	sbr.rel @p0 .LBB2_1-.Ltmp3, $3  }
0x11a: {  	_ =	sdelay $0x1  }
0x11b: {  	[sflag:s29] =	ssyncset.done $0x0  }
0x11c: {  	[sflag:s29] =	ssyncadd.s32 $0xFFFFD800  }
0x11d: {  	_ =	sfence.sel $0x180000  }
0x11e: {  	[bflag:$0x0] =	sbarrier.arrive $0xFFFF  }
0x11f: {  	_ =	strace $0x9000004A  }
0x120: {  	s0 =	stileid.u32;
	[bflag:$0x2] =	sbarrier.arrive $0xFFFF  }
0x121: {  	p0 =	sne.s32 s0, $0x0;
	s0 =	rddreg [dreg:$0x3]  }
0x122: {  	s0 =	sadd.s32 @!p0 $0x100000, s0  }
0x123: {  	[sflag:s0] =	ssyncadd.tile.s32 @!p0 $0x1;
	_ =	shalt  }
.Lfunc_end2:
_tile_overlayer_lowered:
.L_overlay_start_2:
0x124: {  	(tag) =	ssettag $0x2  }
0x125: {  	s0 =	rddreg [dreg:$0x0];
	s2 =	stileid.u32  }
0x126: {  	s1 =	rddreg [dreg:$0x1];
	p0 =	sne.s32 s2, $0x0  }
0x127: {  	s3 =	rddreg [dreg:$0x2];
	[bflag:$0x3] =	sbarrier.arrive $0xFFFF;
	s2 =	simm.s32 @!p0 $0x1C04  }
0x128: {  	[timem:s3], [sflag:s2] =	dma.local @!p0 [hbm:s0], s1  }
0x129: {  	s0 =	simm.s32 @!p0 $0x4  }
0x12a: {  	_ =	swait.ge @!p0 [sflag:s0], s1  }
0x12b: {  	s1 =	ssub.s32 @!p0 $0x0, s1;
	[sflag:s0] =	ssyncset.done @!p0 $0x0  }
0x12c: {  	[sflag:s0] =	ssyncadd.s32 @!p0 s1  }
0x12d: {  	[bflag:$0x3] =	sbarrier.arrive $0xFFFF  }
0x12e: {  	_ =	shalt  }

// kernel: kernel.14.cloned.1.call-start
scs
__scs_entry_jumppad:
0x0: {  	(pc) =	sbr.rel $0x88, $3  }
0x1: {  	(tag) =	ssettag $0x0;
	lr =	simm.s32 $0x1  }
0x2: {  	[smem:$0x3F9B] =	sst lr;
	_ =	strace $0xD0000000  }
0x3: {  	_ = 	snop  }
0x4: {  	_ = 	snop  }
0x5: {  	_ = 	snop  }
0x6: {  	_ = 	snop  }
0x7: {  	_ = 	snop  }
__scs_overlays_trampoline_lowered:
0x8: {  	[smem:$0x3FAA] =	sst s0  }
0x9: {  	[smem:$0x3FAB] =	sst s1  }
0xa: {  	[smem:$0x3FAC] =	sst s2  }
0xb: {  	[smem:$0x3FAD] =	sst s3  }
0xc: {  	[smem:$0x3FAE] =	sst s4  }
0xd: {  	[smem:$0x3FAF] =	sst s5  }
0xe: {  	[smem:$0x3FB0] =	sst s6  }
0xf: {  	[smem:$0x3FB1] =	sst s7  }
0x10: {  	[smem:$0x3FB2] =	sst s8  }
0x11: {  	[smem:$0x3FB3] =	sst s9;
	s0 =	simm.s32 @!p0 $0x0  }
0x12: {  	s1 =	sld [smem:$0x3F99];
	s0 =	simm.s32 @p0 $0x1  }
0x13: {  	[smem:$0x3FB4] =	sst s0;
	s0 =	simm.s32 @!p1 $0x0  }
0x14: {  	s2 =	sld [smem:$0x3F98];
	s0 =	simm.s32 @p1 $0x1  }
0x15: {  	[smem:$0x3FB5] =	sst s0;
	s0 =	simm.s32 @!p2 $0x0  }
0x16: {  	s3 =	sld [smem:$0x3FDB];
	s0 =	simm.s32 @p2 $0x1  }
0x17: {  	s4 =	simm.s32 $0x1BF5;
	[smem:$0x3FB7] =	sst s0  }
0x18: {  	s0 =	sld [smem:$0x3F9A];
	_ =	swait.ge [sflag:s4], $0x0  }
0x19: {  	s7 =	sld [smem:$0x3F9B]  }
0x1a: {  	s8 =	sadd.s32 $0xFFFFE003, lr  }
0x1b: {  	s9 =	sadd.s32 $0xFFFFFEF7, lr;
	s5 =	simm.s32 $0xFFFFFFFF;
	p2 =	slt.u32 s8, $0xFFFFF086  }
0x1c: {  	p1 =	slt.u32 s9, $0xF7A;
	s5 =	simm.s32 @!p2 $0x0  }
0x1d: {  	s5 =	simm.s32 @p1 $0x1;
	p0 =	seq.s32 s7, s2  }
0x1e: {  	s7 =	smul.u32 @!p0 $0xF7A, s2;
	p2 =	seq.s32 @!p0 s5, $0x0  }
0x1f: {  	s9 =	smul.u32 $0xF7A, s1;
	s8 =	simm.s32 @!p0 $0x1BF5;
	p2 =	por !p2, p0  }
0x20: {  	[sflag:s8] =	ssyncset.s32 @!p0 $0xFFFFF086;
	s6 =	sadd.s32 @!p0 s3, s7;
	s7 =	simm.s32 @!p0 $0x108  }
0x21: {  	s3 =	sadd.s32 s3, s9;
	s6 =	sadd.s32 @!p0 $0x88, s6;
	s7 =	simm.s32 @p2 $0x1082  }
0x22: {  	[simem:s7], [sflag:s8] =	dma.local @!p0 [hbm:s6], $0xF7A  }
0x23: {  	s9 =	sor.u32 $0xD0000000, s2;
	s6 =	simm.s32 $0x108;
	_ =	swait.ge @!p0 [sflag:s8], $0x0  }
0x24: {  	s3 =	sadd.s32 $0x88, s3;
	s6 =	simm.s32 @!p1 $0x1082;
	[sflag:s4] =	ssyncset.s32 $0xFFFFF086  }
0x25: {  	[simem:s6], [sflag:s4] =	dma.local [hbm:s3], $0xF7A  }
0x26: {  	[smem:$0x3F9B] =	sst s1;
	(tag) =	ssettag s2;
	_ =	strace s9  }
0x27: {  	s1 =	sld [smem:$0x3FAB]  }
0x28: {  	s2 =	sld [smem:$0x3FAC]  }
0x29: {  	s4 =	sld [smem:$0x3FAE]  }
0x2a: {  	p0 =	seq.s32 s5, $0x0;
	s5 =	sld [smem:$0x3FAF]  }
0x2b: {  	s6 =	sld [smem:$0x3FB0]  }
0x2c: {  	s7 =	sld [smem:$0x3FB1]  }
0x2d: {  	s3 =	simm.s32 $0x108;
	s8 =	sld [smem:$0x3FB2]  }
0x2e: {  	s3 =	simm.s32 @!p0 $0x1082;
	s9 =	sld [smem:$0x3FB3]  }
0x2f: {  	lr =	sadd.s32 s0, s3;
	s0 =	sld [smem:$0x3FAA]  }
0x30: {  	s3 =	sld [smem:$0x3FAD]  }
0x31: {  	[smem:$0x3FB6] =	sst s10  }
0x32: {  	s10 =	sld [smem:$0x3FB4];
	_ =	sdelay $0x3  }
0x33: {  	p0 =	seq.s32 s10, $0x1;
	s10 =	sld [smem:$0x3FB6];
	_ =	sdelay $0x3  }
0x34: {  	[smem:$0x3FB6] =	sst s10  }
0x35: {  	s10 =	sld [smem:$0x3FB5];
	_ =	sdelay $0x3  }
0x36: {  	p1 =	seq.s32 s10, $0x1;
	s10 =	sld [smem:$0x3FB6];
	_ =	sdelay $0x3  }
0x37: {  	[smem:$0x3FB6] =	sst s10  }
0x38: {  	s10 =	sld [smem:$0x3FB7]  }
0x39: {  	_ = 	snop;
	(pc) =	sbr.ind lr, $3  }
0x3a: {  	_ = 	snop  }
0x3b: {  	_ = 	snop  }
0x3c: {  	p2 =	seq.s32 s10, $0x1;
	s10 =	sld [smem:$0x3FB6]  }
0x3d: {  	_ =	shalt  }
0x3e: {  	_ =	shalt  }
0x3f: {  	_ =	shalt  }
0x40: {  	_ =	shalt  }
0x41: {  	_ =	shalt  }
0x42: {  	_ =	shalt  }
0x43: {  	_ =	shalt  }
0x44: {  	_ =	shalt  }
0x45: {  	_ =	shalt  }
0x46: {  	_ =	shalt  }
0x47: {  	_ =	shalt  }
0x48: {  	_ =	shalt  }
0x49: {  	_ =	shalt  }
0x4a: {  	_ =	shalt  }
0x4b: {  	_ =	shalt  }
0x4c: {  	_ =	shalt  }
0x4d: {  	_ =	shalt  }
0x4e: {  	_ =	shalt  }
0x4f: {  	_ =	shalt  }
0x50: {  	_ =	shalt  }
0x51: {  	_ =	shalt  }
0x52: {  	_ =	shalt  }
0x53: {  	_ =	shalt  }
0x54: {  	_ =	shalt  }
0x55: {  	_ =	shalt  }
0x56: {  	_ =	shalt  }
0x57: {  	_ =	shalt  }
0x58: {  	_ =	shalt  }
0x59: {  	_ =	shalt  }
0x5a: {  	_ =	shalt  }
0x5b: {  	_ =	shalt  }
0x5c: {  	_ =	shalt  }
0x5d: {  	_ =	shalt  }
0x5e: {  	_ =	shalt  }
0x5f: {  	_ =	shalt  }
0x60: {  	_ =	shalt  }
0x61: {  	_ =	shalt  }
0x62: {  	_ =	shalt  }
0x63: {  	_ =	shalt  }
0x64: {  	_ =	shalt  }
0x65: {  	_ =	shalt  }
0x66: {  	_ =	shalt  }
0x67: {  	_ =	shalt  }
0x68: {  	_ =	shalt  }
0x69: {  	_ =	shalt  }
0x6a: {  	_ =	shalt  }
0x6b: {  	_ =	shalt  }
0x6c: {  	_ =	shalt  }
0x6d: {  	_ =	shalt  }
0x6e: {  	_ =	shalt  }
0x6f: {  	_ =	shalt  }
0x70: {  	_ =	shalt  }
0x71: {  	_ =	shalt  }
0x72: {  	_ =	shalt  }
0x73: {  	_ =	shalt  }
0x74: {  	_ =	shalt  }
0x75: {  	_ =	shalt  }
0x76: {  	_ =	shalt  }
0x77: {  	_ =	shalt  }
0x78: {  	_ =	shalt  }
0x79: {  	_ =	shalt  }
0x7a: {  	_ =	shalt  }
0x7b: {  	_ =	shalt  }
0x7c: {  	_ =	shalt  }
0x7d: {  	_ =	shalt  }
0x7e: {  	_ =	shalt  }
0x7f: {  	_ =	shalt  }
0x80: {  	_ =	shalt  }
0x81: {  	_ =	shalt  }
0x82: {  	_ =	shalt  }
0x83: {  	_ =	shalt  }
0x84: {  	_ =	shalt  }
0x85: {  	_ =	shalt  }
0x86: {  	_ =	shalt  }
0x87: {  	_ =	shalt  }
.Lfunc_end0:
.L_simem_size_0:
called_computation.2_lowered:
.L_overlay_start_0:
0x88: {  	s2 =	sld [smem:$0x3FD9]  }
0x89: {  	s3 =	sld [smem:$0x3FFE];
	_ =	sdelay $0x1  }
0x8a: {  	s1 =	srdreg.scid  }
0x8b: {  	s0 =	sand.u32 $0x1, s1  }
0x8c: {  	s17 =	sshll.u32 s0, $0xA;
	s2 =	sadd.s32 s3, s2  }
0x8d: {  	s2 =	sadd.s32 s2, s17  }
0x8e: {  	[smem:$0x3FC2] =	sst s2  }
0x8f: {  	_ = 	snop  }
0x90: {  	s2 =	sld [smem:$0x3FD0];
	(tm) =	ssettm $0x1  }
0x91: {  	s18 =	sld [smem:$0x3FFB];
	_ =	sdelay $0x3  }
0x92: {  	_ =	strace s18  }
0x93: {  	s3 =	sld [smem:$0x3FFC];
	_ =	sdelay $0x3  }
0x94: {  	_ =	strace s3  }
0x95: {  	s3 =	sld [smem:$0x3FFD];
	_ =	sdelay $0x3  }
0x96: {  	_ =	strace s3  }
0x97: {  	_ =	strace $0x8FFFFFFF  }
0x98: {  	s19 =	sld [smem:$0x3FDB];
	_ =	sdelay $0x1  }
0x99: {  	s4 =	simm.s32 $_scs_section_size  }
0x9a: {  	s5 =	simm.s32 $_size__tile_overlayer_lowered;
	s6 =	simm.s32 $_tile_overlayer_lowered  }
0x9b: {  	s22 =	simm.s32 $0x1BFF;
	s21 =	sshll.u32 s6, $0x1;
	s3 =	sadd.s32 s4, s19  }
0x9c: {  	s7 =	simm.s32 $0x0;
	s20 =	sshll.u32 s5, $0x1;
	s5 =	sadd.s32 s21, s3  }
0x9d: {  	[timem:s7], [sflag:s22] =	dma.local [hbm:s5], s20  }
0x9e: {  	_ =	swait.ge [sflag:s22], s20  }
0x9f: {  	s4 =	ssub.s32 $0x0, s20;
	[sflag:s22] =	ssyncset.done $0x0  }
0xa0: {  	[sflag:s22] =	ssyncadd.s32 s4;
	_ =	sdelay $0x1  }
0xa1: {  	s23 =	simm.s32 $0x1B8B  }
0xa2: {  	_ =	swait.ge [sflag:s23], $0x1  }
0xa3: {  	[sflag:s23] =	ssyncset.done $0x0  }
0xa4: {  	s25 =	simm.s32 $0x1B8E;
	s24 =	sld [smem:$0x3FFE];
	[sflag:s23] =	ssyncadd.s32 $0xFFFFFFFF  }
0xa5: {  	s26 =	simm.s32 $execute0_lowered;
	[smem:$0x3FD2] =	sst s25  }
0xa6: {  	s5 =	sshll.u32 s26, $0x1;
	_ =	strace $0x8000004C;
	[dreg:$0x1] =	wrdreg $0xFFFFFFFF  }
0xa7: {  	s28 =	simm.s32 $_size_execute0_lowered;
	s3 =	sadd.s32 s3, s5;
	[dreg:$0x0] =	wrdreg $0x0  }
0xa8: {  	s5 =	sshll.u32 s28, $0x1;
	[dreg:$0x2] =	wrdreg s3  }
0xa9: {  	[dreg:$0x3] =	wrdreg s5  }
0xaa: {  	[dreg:$0x4] =	wrdreg $0xC0  }
0xab: {  	_ =	task [dreg:s7], $0x5FFFF  }
0xac: {  	[dreg:$0x1] =	wrdreg $0xFFFFFFFF  }
0xad: {  	[dreg:$0x0] =	wrdreg $0x60  }
0xae: {  	[dreg:$0x2] =	wrdreg s2  }
0xaf: {  	[dreg:$0x3] =	wrdreg s24  }
0xb0: {  	[dreg:$0x4] =	wrdreg $0xB0000  }
0xb1: {  	[dreg:$0x5] =	wrdreg $0x9  }
0xb2: {  	_ =	task.clear_ibuf [dreg:s7], $0x6FFFF;
	_ =	strace $0x9000004C  }
0xb3: {  	s29 =	simm.s32 $0x9;
	_ =	strace $0x8000004E  }
0xb4: {  	_ =	swait.ge [sflag:s29], $0x1  }
0xb5: {  	[sflag:s29] =	ssyncadd.s32 $0xFFFFFFFF  }
0xb6: {  	_ =	strace $0x9000004E  }
0xb7: {  	_ =	sfence  }
0xb8: {  	s30 =	sld [smem:$0x0];
	_ =	sdelay $0x2  }
0xb9: {  	s31 =	sshll.u32 s1, $0xD;
	s1 =	sshrl.u32 s1, $0x2  }
0xba: {  	s3 =	sand.u32 $0x4000, s31;
	s1 =	sadd.s32 s1, s30  }
0xbb: {  	s0 =	sor.u32 s3, s0;
	s1 =	sshll.u32 s1, $0x11  }
0xbc: {  	s0 =	sor.u32 s1, s0  }
0xbd: {  	s0 =	sadd.s32 $0x8F2B, s0  }
0xbe: {  	[sflag:s0] =	ssyncadd.remote.s32 $0x1  }
0xbf: {  	_ =	sfence.sel $0xFFFF  }
0xc0: {  	[dreg:$0x0] =	wrdreg $0xFFFFFFFF;
	(pc) =	sbr.abs _section_cstart, $3  }
0xc1: {  	[dreg:$0x1] =	wrdreg $0xFFFFFFFF  }
0xc2: {  	_ =	task.clear_ibuf [dreg:s7], $0x2FFFF;
	_ =	strace $0x9FFFFFFF  }
0xc3: {  	(tm) =	ssettm $0x7FFFFFFF  }
tec
execute0_lowered:
.L_overlay_start_1:
0x0: {  	(tag) =	ssettag $0x1  }
0x1: {  	s1 =	rddreg [dreg:$0x0]  }
0x2: {  	s0 =	rddreg [dreg:$0x1]  }
0x3: {  	s2 =	rddreg [dreg:$0x2];
	s3 =	simm.s32 $0x0;
	s4 =	srdreg.scid  }
0x4: {  	s11 =	stileid.u32;
	[smem:$0x7FF] =	sst s3;
	s4 =	sand.u32 $0x1, s4  }
0x5: {  	s6 =	sadd.s32 $0xCC00, s0;
	s7 =	smul.u32 $0x14000, s11;
	s8 =	sshll.u32 s11, $0x1  }
0x6: {  	s9 =	sadd.s32 $0x2C00, s0;
	s10 =	sadd.s32 $0x16C00, s0;
	s11 =	smul.u32 $0x50000, s11  }
0x7: {  	s5 =	smul.u32 $0x140000, s4;
	s8 =	sor.u32 s4, s8;
	s4 =	ssub.s32 $0x2, s4  }
0x8: {  	_ =	strace $0x8000004D;
	s8 =	smul.u32 $0x2800, s8;
	s13 =	sshrl.u32 s4, $0x1  }
0x9: {  	[dreg:$0x4] =	wrdreg s10;
	s5 =	sadd.s32 s7, s5;
	s4 =	ssub.s32 s4, s13  }
0xa: {  	s5 =	sshrl.u32 s5, $0x3;
	s14 =	sshrl.u32 s8, $0x3;
	s4 =	smax.u32 s4, $0x1  }
0xb: {  	s0 =	sadd.s32 s5, s0;
	s8 =	sadd.s32 s6, s14;
	[dreg:$0xa] =	wrdreg s4  }
0xc: {  	s16 =	sadd.s32 $0x280, s14;
	s5 =	sadd.s32 s9, s14;
	[dreg:$0x5] =	wrdreg s8  }
0xd: {  	[dreg:$0x6] =	wrdreg s5;
	s17 =	sadd.s32 s6, s16  }
0xe: {  	s15 =	sshrl.u32 s11, $0x2;
	s18 =	sadd.s32 s9, s16;
	[dreg:$0x7] =	wrdreg s17  }
0xf: {  	s8 =	sadd.s32 s15, s2;
	s0 =	sadd.s32 $0x16E00, s0;
	[dreg:$0x8] =	wrdreg s18  }
0x10: {  	[dreg:$0x9] =	wrdreg s0;
	s20 =	sadd.s32 $0x800, s8  }
0x11: {  	s21 =	sadd.s32 $0x1000, s8;
	[dreg:$0xb] =	wrdreg s20  }
0x12: {  	s22 =	sadd.s32 $0x1800, s8;
	[dreg:$0xc] =	wrdreg s21  }
0x13: {  	s23 =	sadd.s32 $0x2000, s8;
	[dreg:$0xd] =	wrdreg s22  }
0x14: {  	s24 =	sadd.s32 $0x2800, s8;
	[dreg:$0xe] =	wrdreg s23  }
0x15: {  	s25 =	sadd.s32 $0x3000, s8;
	[dreg:$0xf] =	wrdreg s24  }
0x16: {  	s26 =	sadd.s32 $0x3800, s8;
	[dreg:$0x10] =	wrdreg s25  }
0x17: {  	s5 =	sadd.s32 $0x4000, s8;
	[dreg:$0x11] =	wrdreg s26  }
0x18: {  	s6 =	sadd.s32 $0x4800, s8;
	[dreg:$0x12] =	wrdreg s5  }
0x19: {  	s19 =	sadd.s32 s7, s2;
	s7 =	sadd.s32 $0x5000, s8;
	[dreg:$0x13] =	wrdreg s6  }
0x1a: {  	s9 =	sadd.s32 $0x5800, s8;
	[dreg:$0x14] =	wrdreg s7  }
0x1b: {  	s10 =	sadd.s32 $0x6000, s8;
	[dreg:$0x15] =	wrdreg s9  }
0x1c: {  	s0 =	sshrl.u32 s19, $0x3;
	[dreg:$0x16] =	wrdreg s10  }
0x1d: {  	s11 =	sadd.s32 $0x6800, s8;
	[dreg:$0x17] =	wrdreg s0  }
0x1e: {  	s12 =	sadd.s32 $0x7000, s8;
	[dreg:$0x18] =	wrdreg s11  }
0x1f: {  	s13 =	sadd.s32 $0x7800, s8;
	[dreg:$0x19] =	wrdreg s12  }
0x20: {  	s14 =	sadd.s32 $0x8000, s8;
	[dreg:$0x1a] =	wrdreg s13  }
0x21: {  	s15 =	sadd.s32 $0x8800, s8;
	[dreg:$0x1b] =	wrdreg s14  }
0x22: {  	s16 =	sadd.s32 $0x9000, s8;
	[dreg:$0x1c] =	wrdreg s15  }
0x23: {  	s28 =	simm.s32 $0xA800;
	s17 =	sadd.s32 $0x9800, s8;
	[dreg:$0x1d] =	wrdreg s16  }
0x24: {  	s29 =	simm.s32 $0x4;
	s18 =	sadd.s32 $0xA000, s8;
	[dreg:$0x1e] =	wrdreg s17  }
0x25: {  	s30 =	simm.s32 $0x2;
	s19 =	sadd.s32 $0xA800, s8;
	[dreg:$0x1f] =	wrdreg s18  }
0x26: {  	s31 =	simm.s32 $0x1;
	s4 =	simm.s32 $0x2800;
	[smem:$0x7F6] =	sst s19  }
0x27: {  	s20 =	sadd.s32 $0xB000, s8;
	s21 =	sadd.s32 $0xB800, s8;
	s22 =	sadd.s32 $0xC000, s8  }
0x28: {  	s23 =	sadd.s32 $0xC800, s8;
	s24 =	sadd.s32 $0xD000, s8;
	s25 =	sadd.s32 $0xD800, s8  }
0x29: {  	s26 =	sadd.s32 $0xE000, s8;
	s15 =	sadd.s32 $0xE800, s8;
	[smem:$0x7F7] =	sst s20  }
0x2a: {  	s16 =	sadd.s32 $0xF000, s8;
	s17 =	sadd.s32 $0xF800, s8;
	[smem:$0x7F8] =	sst s21  }
0x2b: {  	s18 =	sadd.s32 $0x10000, s8;
	s19 =	sadd.s32 $0x10800, s8;
	[smem:$0x7F9] =	sst s22  }
0x2c: {  	s0 =	simm.s32 $0x80;
	s5 =	simm.s32 $0x6800;
	[smem:$0x7FA] =	sst s23  }
0x2d: {  	s6 =	simm.s32 $0x3;
	s7 =	simm.s32 $0x1380;
	[smem:$0x7FB] =	sst s24  }
0x2e: {  	s9 =	simm.s32 $0x2700;
	s10 =	simm.s32 $0x2780;
	[smem:$0x7FC] =	sst s25  }
0x2f: {  	s11 =	simm.s32 $0x0;
	[smem:$0x7FD] =	sst s26;
	s20 =	sadd.s32 $0x11000, s8  }
0x30: {  	s21 =	sadd.s32 $0x11800, s8;
	s22 =	sadd.s32 $0x12000, s8;
	s23 =	sadd.s32 $0x12800, s8  }
0x31: {  	s24 =	sadd.s32 $0x13000, s8;
	s25 =	sadd.s32 $0x13800, s8;
	s26 =	simm.s32 $0x1400  }
.LBB2_1:
0x32: {  	s12 =	rddreg [dreg:$0x5]  }
0x33: {  	[tilespmem:s3], [sflag:$0x1] =	stream.linear.gather [hbm4b:s12+s3], $0x1400, $0x38;
	[tilespmem:$0x1F000] =	vst v63  }
0x34: {  	s13 =	rddreg [dreg:$0x6]  }
0x35: {  	[tilespmem:s26], [sflag:$0x1] =	stream.linear.gather [hbm4b:s13+s3], $0x1400, $0x38;
	[tilespmem:$0x1F000] =	vst v63  }
0x36: {  	s14 =	rddreg [dreg:$0x4]  }
0x37: {  	[tilespmem:s28], [sflag:$0x4] =	stream.linear.gather [hbm4b:s14+s3], $0x800, $0x38;
	[tilespmem:$0x1F000] =	vst v63  }
0x38: {  	_ =	swait.ge [sflag:s29], $0x800  }
0x39: {  	[sflag:s29] =	ssyncset.done $0x0  }
0x3a: {  	s13 =	rddreg [dreg:$0xb];
	[sflag:s29] =	ssyncadd.s32 $0xFFFFF800  }
0x3b: {  	[spmem:s8] =	stream.linear.scatter [tilespmem:s28], [sflag:$0x2], $0x800, $0x38;
	[tilespmem:$0x1F000] =	vst v63  }
0x3c: {  	s14 =	rddreg [dreg:$0xc]  }
0x3d: {  	[spmem:s13] =	stream.linear.scatter [tilespmem:s28], [sflag:$0x2], $0x800, $0x38;
	[tilespmem:$0x1F000] =	vst v63  }
0x3e: {  	s13 =	rddreg [dreg:$0xd]  }
0x3f: {  	[spmem:s14] =	stream.linear.scatter [tilespmem:s28], [sflag:$0x2], $0x800, $0x38;
	[tilespmem:$0x1F000] =	vst v63  }
0x40: {  	s14 =	rddreg [dreg:$0xe]  }
0x41: {  	[spmem:s13] =	stream.linear.scatter [tilespmem:s28], [sflag:$0x2], $0x800, $0x38;
	[tilespmem:$0x1F000] =	vst v63  }
0x42: {  	s13 =	rddreg [dreg:$0xf]  }
0x43: {  	[spmem:s14] =	stream.linear.scatter [tilespmem:s28], [sflag:$0x2], $0x800, $0x38;
	[tilespmem:$0x1F000] =	vst v63  }
0x44: {  	s14 =	rddreg [dreg:$0x10]  }
0x45: {  	[spmem:s13] =	stream.linear.scatter [tilespmem:s28], [sflag:$0x2], $0x800, $0x38;
	[tilespmem:$0x1F000] =	vst v63  }
0x46: {  	s13 =	rddreg [dreg:$0x11]  }
0x47: {  	[spmem:s14] =	stream.linear.scatter [tilespmem:s28], [sflag:$0x2], $0x800, $0x38;
	[tilespmem:$0x1F000] =	vst v63  }
0x48: {  	s14 =	rddreg [dreg:$0x12]  }
0x49: {  	[spmem:s13] =	stream.linear.scatter [tilespmem:s28], [sflag:$0x2], $0x800, $0x38;
	[tilespmem:$0x1F000] =	vst v63  }
0x4a: {  	s13 =	rddreg [dreg:$0x13]  }
0x4b: {  	[spmem:s14] =	stream.linear.scatter [tilespmem:s28], [sflag:$0x2], $0x800, $0x38;
	[tilespmem:$0x1F000] =	vst v63  }
0x4c: {  	s14 =	rddreg [dreg:$0x14]  }
0x4d: {  	[spmem:s13] =	stream.linear.scatter [tilespmem:s28], [sflag:$0x2], $0x800, $0x38;
	[tilespmem:$0x1F000] =	vst v63  }
0x4e: {  	s13 =	rddreg [dreg:$0x15]  }
0x4f: {  	[spmem:s14] =	stream.linear.scatter [tilespmem:s28], [sflag:$0x2], $0x800, $0x38;
	[tilespmem:$0x1F000] =	vst v63  }
0x50: {  	s14 =	rddreg [dreg:$0x16]  }
0x51: {  	[spmem:s13] =	stream.linear.scatter [tilespmem:s28], [sflag:$0x2], $0x800, $0x38;
	[tilespmem:$0x1F000] =	vst v63  }
0x52: {  	s13 =	rddreg [dreg:$0x18]  }
0x53: {  	[spmem:s14] =	stream.linear.scatter [tilespmem:s28], [sflag:$0x2], $0x800, $0x38;
	[tilespmem:$0x1F000] =	vst v63  }
0x54: {  	s14 =	rddreg [dreg:$0x19]  }
0x55: {  	[spmem:s13] =	stream.linear.scatter [tilespmem:s28], [sflag:$0x2], $0x800, $0x38;
	[tilespmem:$0x1F000] =	vst v63  }
0x56: {  	s13 =	rddreg [dreg:$0x1a]  }
0x57: {  	[spmem:s14] =	stream.linear.scatter [tilespmem:s28], [sflag:$0x2], $0x800, $0x38;
	[tilespmem:$0x1F000] =	vst v63  }
0x58: {  	s14 =	rddreg [dreg:$0x1b]  }
0x59: {  	[spmem:s13] =	stream.linear.scatter [tilespmem:s28], [sflag:$0x2], $0x800, $0x38;
	[tilespmem:$0x1F000] =	vst v63  }
0x5a: {  	s13 =	rddreg [dreg:$0x1c]  }
0x5b: {  	[spmem:s14] =	stream.linear.scatter [tilespmem:s28], [sflag:$0x2], $0x800, $0x38;
	[tilespmem:$0x1F000] =	vst v63  }
0x5c: {  	s14 =	rddreg [dreg:$0x1d]  }
0x5d: {  	[spmem:s13] =	stream.linear.scatter [tilespmem:s28], [sflag:$0x2], $0x800, $0x38;
	[tilespmem:$0x1F000] =	vst v63  }
0x5e: {  	s13 =	rddreg [dreg:$0x1e]  }
0x5f: {  	[spmem:s14] =	stream.linear.scatter [tilespmem:s28], [sflag:$0x2], $0x800, $0x38;
	[tilespmem:$0x1F000] =	vst v63  }
0x60: {  	s14 =	rddreg [dreg:$0x1f]  }
0x61: {  	[spmem:s13] =	stream.linear.scatter [tilespmem:s28], [sflag:$0x2], $0x800, $0x38;
	[tilespmem:$0x1F000] =	vst v63  }
0x62: {  	s13 =	sld [smem:$0x7F6]  }
0x63: {  	[spmem:s14] =	stream.linear.scatter [tilespmem:s28], [sflag:$0x2], $0x800, $0x38;
	[tilespmem:$0x1F000] =	vst v63  }
0x64: {  	s14 =	sld [smem:$0x7F7]  }
0x65: {  	[spmem:s13] =	stream.linear.scatter [tilespmem:s28], [sflag:$0x2], $0x800, $0x38;
	[tilespmem:$0x1F000] =	vst v63  }
0x66: {  	s13 =	sld [smem:$0x7F8]  }
0x67: {  	[spmem:s14] =	stream.linear.scatter [tilespmem:s28], [sflag:$0x2], $0x800, $0x38;
	[tilespmem:$0x1F000] =	vst v63  }
0x68: {  	s14 =	sld [smem:$0x7F9]  }
0x69: {  	[spmem:s13] =	stream.linear.scatter [tilespmem:s28], [sflag:$0x2], $0x800, $0x38;
	[tilespmem:$0x1F000] =	vst v63  }
0x6a: {  	s13 =	sld [smem:$0x7FA]  }
0x6b: {  	[spmem:s14] =	stream.linear.scatter [tilespmem:s28], [sflag:$0x2], $0x800, $0x38;
	[tilespmem:$0x1F000] =	vst v63  }
0x6c: {  	s14 =	sld [smem:$0x7FB]  }
0x6d: {  	[spmem:s13] =	stream.linear.scatter [tilespmem:s28], [sflag:$0x2], $0x800, $0x38;
	[tilespmem:$0x1F000] =	vst v63  }
0x6e: {  	s13 =	sld [smem:$0x7FC]  }
0x6f: {  	[spmem:s14] =	stream.linear.scatter [tilespmem:s28], [sflag:$0x2], $0x800, $0x38;
	[tilespmem:$0x1F000] =	vst v63  }
0x70: {  	s14 =	sld [smem:$0x7FD]  }
0x71: {  	[spmem:s13] =	stream.linear.scatter [tilespmem:s28], [sflag:$0x2], $0x800, $0x38;
	[tilespmem:$0x1F000] =	vst v63  }
0x72: {  	_ = 	snop  }
0x73: {  	[spmem:s14] =	stream.linear.scatter [tilespmem:s28], [sflag:$0x2], $0x800, $0x38;
	[tilespmem:$0x1F000] =	vst v63  }
0x74: {  	_ = 	snop  }
0x75: {  	[spmem:s15] =	stream.linear.scatter [tilespmem:s28], [sflag:$0x2], $0x800, $0x38;
	[tilespmem:$0x1F000] =	vst v63  }
0x76: {  	_ = 	snop  }
0x77: {  	[spmem:s16] =	stream.linear.scatter [tilespmem:s28], [sflag:$0x2], $0x800, $0x38;
	[tilespmem:$0x1F000] =	vst v63  }
0x78: {  	_ = 	snop  }
0x79: {  	[spmem:s17] =	stream.linear.scatter [tilespmem:s28], [sflag:$0x2], $0x800, $0x38;
	[tilespmem:$0x1F000] =	vst v63  }
0x7a: {  	_ = 	snop  }
0x7b: {  	[spmem:s18] =	stream.linear.scatter [tilespmem:s28], [sflag:$0x2], $0x800, $0x38;
	[tilespmem:$0x1F000] =	vst v63  }
0x7c: {  	_ = 	snop  }
0x7d: {  	[spmem:s19] =	stream.linear.scatter [tilespmem:s28], [sflag:$0x2], $0x800, $0x38;
	[tilespmem:$0x1F000] =	vst v63  }
0x7e: {  	_ = 	snop  }
0x7f: {  	[spmem:s20] =	stream.linear.scatter [tilespmem:s28], [sflag:$0x2], $0x800, $0x38;
	[tilespmem:$0x1F000] =	vst v63  }
0x80: {  	_ = 	snop  }
0x81: {  	[spmem:s21] =	stream.linear.scatter [tilespmem:s28], [sflag:$0x2], $0x800, $0x38;
	[tilespmem:$0x1F000] =	vst v63  }
0x82: {  	_ = 	snop  }
0x83: {  	[spmem:s22] =	stream.linear.scatter [tilespmem:s28], [sflag:$0x2], $0x800, $0x38;
	[tilespmem:$0x1F000] =	vst v63  }
0x84: {  	_ = 	snop  }
0x85: {  	[spmem:s23] =	stream.linear.scatter [tilespmem:s28], [sflag:$0x2], $0x800, $0x38;
	[tilespmem:$0x1F000] =	vst v63  }
0x86: {  	_ = 	snop  }
0x87: {  	[spmem:s24] =	stream.linear.scatter [tilespmem:s28], [sflag:$0x2], $0x800, $0x38;
	[tilespmem:$0x1F000] =	vst v63  }
0x88: {  	_ = 	snop  }
0x89: {  	[spmem:s25] =	stream.linear.scatter [tilespmem:s28], [sflag:$0x2], $0x800, $0x38;
	[tilespmem:$0x1F000] =	vst v63  }
0x8a: {  	_ =	swait.ge [sflag:s30], $0x800  }
0x8b: {  	s12 =	simm.s32 $0x27;
	[sflag:s30] =	ssyncset.done $0x0  }
.LBB2_2:
0x8c: {  	p0 =	sne.s32 s12, $0x1;
	s12 =	sadd.s32 $0xFFFFFFFF, s12;
	[sflag:s30] =	ssyncadd.s32 $0xFFFFF800  }
.Ltmp0:
0x8d: {  	(pc) =	sbr.rel @p0 .LBB2_2-.Ltmp0, $3  }
0x8e: {  	_ =	sdelay $0x1  }
0x8f: {  	_ =	swait.ge [sflag:s30], $0x800  }
0x90: {  	[sflag:s30] =	ssyncset.done $0x0  }
0x91: {  	[sflag:s30] =	ssyncadd.s32 $0xFFFFF800  }
0x92: {  	_ =	swait.ge [sflag:s31], $0x1400  }
0x93: {  	[sflag:s31] =	ssyncset.done $0x0  }
0x94: {  	[sflag:s31] =	ssyncadd.s32 $0xFFFFEC00  }
0x95: {  	_ =	swait.ge [sflag:s31], $0x1400  }
0x96: {  	[sflag:s31] =	ssyncset.done $0x0  }
0x97: {  	[sflag:s31] =	ssyncadd.s32 $0xFFFFEC00  }
0x98: {  	s12 =	simm.s32 $0x0;
	[bflag:$0x0] =	sbarrier.arrive $0xFFFF  }
0x99: {  	[tilespmem:s4], [sflag:$0x2] =	stream.indirect.gather [hbm4b:s1+s0], $0x80, s12, s0, $0xb8;
	[tilespmem:$0x1F000] =	vst v63  }
0x9a: {  	_ =	swait.ge [sflag:s30], $0x4000  }
0x9b: {  	[sflag:s30] =	ssyncset.done $0x0  }
0x9c: {  	s13 =	simm.s32 $0x80;
	[sflag:s30] =	ssyncadd.s32 $0xFFFFC000  }
0x9d: {  	[tilespmem:s5], [sflag:$0x3] =	stream.indirect.gather [hbm4b:s1+s0], $0x80, s13, s0, $0xb8;
	[tilespmem:$0x1F000] =	vst v63  }
0x9e: {  	s14 =	simm.s32 $0x1400  }
0x9f: {  	[spmem:s2] =	stream.indirect.scatter.add.f32 [tilespmem:s4], [sflag:$0x4], $0x80, s14, s0, $0xb8;
	[tilespmem:$0x1F000] =	vst v63  }
0xa0: {  	_ =	swait.ge [sflag:s29], $0x4000  }
0xa1: {  	[sflag:s29] =	ssyncset.done $0x0  }
0xa2: {  	[sflag:s29] =	ssyncadd.s32 $0xFFFFC000  }
0xa3: {  	_ =	swait.ge [sflag:s6], $0x4000  }
0xa4: {  	[sflag:s6] =	ssyncset.done $0x0  }
0xa5: {  	s13 =	simm.s32 $0x100;
	[sflag:s6] =	ssyncadd.s32 $0xFFFFC000  }
0xa6: {  	[tilespmem:s4], [sflag:$0x2] =	stream.indirect.gather [hbm4b:s1+s0], $0x80, s13, s0, $0xb8;
	[tilespmem:$0x1F000] =	vst v63  }
0xa7: {  	s14 =	simm.s32 $0x1480  }
0xa8: {  	[spmem:s2] =	stream.indirect.scatter.add.f32 [tilespmem:s5], [sflag:$0x4], $0x80, s14, s0, $0xb8;
	[tilespmem:$0x1F000] =	vst v63  }
0xa9: {  	_ =	swait.ge [sflag:s29], $0x4000  }
0xaa: {  	s12 =	simm.s32 $0x400;
	[sflag:s29] =	ssyncset.done $0x0  }
.LBB2_4:
0xab: {  	p0 =	sne.s32 s12, $0x4800  }
0xac: {  	[sflag:s29] =	ssyncadd.s32 $0xFFFFC000;
	s13 =	smov.u32 s12;
	s12 =	sadd.s32 $0x400, s12  }
0xad: {  	_ = 	snop  }
0xae: {  	_ =	swait.ge [sflag:s30], $0x4000  }
0xaf: {  	s13 =	sshra.s32 s13, $0x2;
	[sflag:s30] =	ssyncset.done $0x0  }
0xb0: {  	s14 =	sadd.s32 $0x80, s13;
	[sflag:s30] =	ssyncadd.s32 $0xFFFFC000  }
0xb1: {  	[tilespmem:s5], [sflag:$0x3] =	stream.indirect.gather [hbm4b:s1+s0], $0x80, s14, s0, $0xb8;
	[tilespmem:$0x1F000] =	vst v63  }
0xb2: {  	s14 =	sadd.s32 $0x1400, s13  }
0xb3: {  	[spmem:s2] =	stream.indirect.scatter.add.f32 [tilespmem:s4], [sflag:$0x4], $0x80, s14, s0, $0xb8;
	[tilespmem:$0x1F000] =	vst v63  }
0xb4: {  	_ =	swait.ge [sflag:s29], $0x4000  }
0xb5: {  	[sflag:s29] =	ssyncset.done $0x0  }
0xb6: {  	[sflag:s29] =	ssyncadd.s32 $0xFFFFC000  }
0xb7: {  	_ =	swait.ge [sflag:s6], $0x4000  }
0xb8: {  	[sflag:s6] =	ssyncset.done $0x0  }
0xb9: {  	s14 =	sadd.s32 $0x100, s13;
	[sflag:s6] =	ssyncadd.s32 $0xFFFFC000  }
0xba: {  	[tilespmem:s4], [sflag:$0x2] =	stream.indirect.gather [hbm4b:s1+s0], $0x80, s14, s0, $0xb8;
	[tilespmem:$0x1F000] =	vst v63  }
.Ltmp1:
0xbb: {  	_ = 	snop;
	(pc) =	sbr.rel @p0 .LBB2_4-.Ltmp1, $4  }
0xbc: {  	s13 =	sadd.s32 $0x1480, s13  }
0xbd: {  	[spmem:s2] =	stream.indirect.scatter.add.f32 [tilespmem:s5], [sflag:$0x4], $0x80, s13, s0, $0xb8;
	[tilespmem:$0x1F000] =	vst v63  }
0xbe: {  	_ =	swait.ge [sflag:s29], $0x4000  }
0xbf: {  	[sflag:s29] =	ssyncset.done $0x0  }
0xc0: {  	[sflag:s29] =	ssyncadd.s32 $0xFFFFC000  }
0xc1: {  	_ =	swait.ge [sflag:s30], $0x4000  }
0xc2: {  	[sflag:s30] =	ssyncset.done $0x0  }
0xc3: {  	[sflag:s30] =	ssyncadd.s32 $0xFFFFC000  }
0xc4: {  	[tilespmem:s5], [sflag:$0x3] =	stream.indirect.gather [hbm4b:s1+s0], $0x80, s7, s0, $0xb8;
	[tilespmem:$0x1F000] =	vst v63  }
0xc5: {  	_ = 	snop  }
0xc6: {  	[spmem:s2] =	stream.indirect.scatter.add.f32 [tilespmem:s4], [sflag:$0x4], $0x80, s9, s0, $0xb8;
	[tilespmem:$0x1F000] =	vst v63  }
0xc7: {  	_ =	swait.ge [sflag:s29], $0x4000  }
0xc8: {  	[sflag:s29] =	ssyncset.done $0x0  }
0xc9: {  	[sflag:s29] =	ssyncadd.s32 $0xFFFFC000  }
0xca: {  	_ =	swait.ge [sflag:s6], $0x4000  }
0xcb: {  	[sflag:s6] =	ssyncset.done $0x0  }
0xcc: {  	[sflag:s6] =	ssyncadd.s32 $0xFFFFC000  }
0xcd: {  	[spmem:s2] =	stream.indirect.scatter.add.f32 [tilespmem:s5], [sflag:$0x4], $0x80, s10, s0, $0xb8;
	[tilespmem:$0x1F000] =	vst v63  }
0xce: {  	_ =	swait.ge [sflag:s29], $0x4000  }
0xcf: {  	[sflag:s29] =	ssyncset.done $0x0  }
0xd0: {  	s12 =	simm.s32 $0x0;
	s13 =	rddreg [dreg:$0x7];
	[sflag:s29] =	ssyncadd.s32 $0xFFFFC000  }
0xd1: {  	[tilespmem:s12], [sflag:$0x1] =	stream.linear.gather [hbm4b:s13+s12], $0x1400, $0x38;
	[tilespmem:$0x1F000] =	vst v63  }
0xd2: {  	s14 =	rddreg [dreg:$0x8]  }
0xd3: {  	[tilespmem:s26], [sflag:$0x1] =	stream.linear.gather [hbm4b:s14+s12], $0x1400, $0x38;
	[tilespmem:$0x1F000] =	vst v63  }
0xd4: {  	_ =	swait.ge [sflag:s31], $0x1400  }
0xd5: {  	[sflag:s31] =	ssyncset.done $0x0  }
0xd6: {  	[sflag:s31] =	ssyncadd.s32 $0xFFFFEC00  }
0xd7: {  	_ =	swait.ge [sflag:s31], $0x1400  }
0xd8: {  	[sflag:s31] =	ssyncset.done $0x0  }
0xd9: {  	[sflag:s31] =	ssyncadd.s32 $0xFFFFEC00  }
0xda: {  	[tilespmem:s4], [sflag:$0x2] =	stream.indirect.gather [hbm4b:s1+s0], $0x80, s12, s0, $0xb8;
	[tilespmem:$0x1F000] =	vst v63  }
0xdb: {  	_ =	swait.ge [sflag:s30], $0x4000  }
0xdc: {  	[sflag:s30] =	ssyncset.done $0x0  }
0xdd: {  	s13 =	simm.s32 $0x80;
	[sflag:s30] =	ssyncadd.s32 $0xFFFFC000  }
0xde: {  	[tilespmem:s5], [sflag:$0x3] =	stream.indirect.gather [hbm4b:s1+s0], $0x80, s13, s0, $0xb8;
	[tilespmem:$0x1F000] =	vst v63  }
0xdf: {  	s14 =	simm.s32 $0x1400  }
0xe0: {  	[spmem:s2] =	stream.indirect.scatter.add.f32 [tilespmem:s4], [sflag:$0x4], $0x80, s14, s0, $0xb8;
	[tilespmem:$0x1F000] =	vst v63  }
0xe1: {  	_ =	swait.ge [sflag:s29], $0x4000  }
0xe2: {  	[sflag:s29] =	ssyncset.done $0x0  }
0xe3: {  	[sflag:s29] =	ssyncadd.s32 $0xFFFFC000  }
0xe4: {  	_ =	swait.ge [sflag:s6], $0x4000  }
0xe5: {  	[sflag:s6] =	ssyncset.done $0x0  }
0xe6: {  	s13 =	simm.s32 $0x100;
	[sflag:s6] =	ssyncadd.s32 $0xFFFFC000  }
0xe7: {  	[tilespmem:s4], [sflag:$0x2] =	stream.indirect.gather [hbm4b:s1+s0], $0x80, s13, s0, $0xb8;
	[tilespmem:$0x1F000] =	vst v63  }
0xe8: {  	s14 =	simm.s32 $0x1480  }
0xe9: {  	[spmem:s2] =	stream.indirect.scatter.add.f32 [tilespmem:s5], [sflag:$0x4], $0x80, s14, s0, $0xb8;
	[tilespmem:$0x1F000] =	vst v63  }
0xea: {  	_ =	swait.ge [sflag:s29], $0x4000  }
0xeb: {  	s12 =	simm.s32 $0x400;
	[sflag:s29] =	ssyncset.done $0x0  }
.LBB2_6:
0xec: {  	p0 =	sne.s32 s12, $0x4800  }
0xed: {  	[sflag:s29] =	ssyncadd.s32 $0xFFFFC000;
	s13 =	smov.u32 s12;
	s12 =	sadd.s32 $0x400, s12  }
0xee: {  	_ = 	snop  }
0xef: {  	_ =	swait.ge [sflag:s30], $0x4000  }
0xf0: {  	s13 =	sshra.s32 s13, $0x2;
	[sflag:s30] =	ssyncset.done $0x0  }
0xf1: {  	s14 =	sadd.s32 $0x80, s13;
	[sflag:s30] =	ssyncadd.s32 $0xFFFFC000  }
0xf2: {  	[tilespmem:s5], [sflag:$0x3] =	stream.indirect.gather [hbm4b:s1+s0], $0x80, s14, s0, $0xb8;
	[tilespmem:$0x1F000] =	vst v63  }
0xf3: {  	s14 =	sadd.s32 $0x1400, s13  }
0xf4: {  	[spmem:s2] =	stream.indirect.scatter.add.f32 [tilespmem:s4], [sflag:$0x4], $0x80, s14, s0, $0xb8;
	[tilespmem:$0x1F000] =	vst v63  }
0xf5: {  	_ =	swait.ge [sflag:s29], $0x4000  }
0xf6: {  	[sflag:s29] =	ssyncset.done $0x0  }
0xf7: {  	[sflag:s29] =	ssyncadd.s32 $0xFFFFC000  }
0xf8: {  	_ =	swait.ge [sflag:s6], $0x4000  }
0xf9: {  	[sflag:s6] =	ssyncset.done $0x0  }
0xfa: {  	s14 =	sadd.s32 $0x100, s13;
	[sflag:s6] =	ssyncadd.s32 $0xFFFFC000  }
0xfb: {  	[tilespmem:s4], [sflag:$0x2] =	stream.indirect.gather [hbm4b:s1+s0], $0x80, s14, s0, $0xb8;
	[tilespmem:$0x1F000] =	vst v63  }
.Ltmp2:
0xfc: {  	_ = 	snop;
	(pc) =	sbr.rel @p0 .LBB2_6-.Ltmp2, $4  }
0xfd: {  	s13 =	sadd.s32 $0x1480, s13  }
0xfe: {  	[spmem:s2] =	stream.indirect.scatter.add.f32 [tilespmem:s5], [sflag:$0x4], $0x80, s13, s0, $0xb8;
	[tilespmem:$0x1F000] =	vst v63  }
0xff: {  	_ =	swait.ge [sflag:s29], $0x4000  }
0x100: {  	[sflag:s29] =	ssyncset.done $0x0  }
0x101: {  	[sflag:s29] =	ssyncadd.s32 $0xFFFFC000  }
0x102: {  	_ =	swait.ge [sflag:s30], $0x4000  }
0x103: {  	[sflag:s30] =	ssyncset.done $0x0  }
0x104: {  	[sflag:s30] =	ssyncadd.s32 $0xFFFFC000  }
0x105: {  	[tilespmem:s5], [sflag:$0x3] =	stream.indirect.gather [hbm4b:s1+s0], $0x80, s7, s0, $0xb8;
	[tilespmem:$0x1F000] =	vst v63  }
0x106: {  	_ = 	snop  }
0x107: {  	[spmem:s2] =	stream.indirect.scatter.add.f32 [tilespmem:s4], [sflag:$0x4], $0x80, s9, s0, $0xb8;
	[tilespmem:$0x1F000] =	vst v63  }
0x108: {  	_ =	swait.ge [sflag:s29], $0x4000  }
0x109: {  	[sflag:s29] =	ssyncset.done $0x0  }
0x10a: {  	[sflag:s29] =	ssyncadd.s32 $0xFFFFC000  }
0x10b: {  	_ =	swait.ge [sflag:s6], $0x4000  }
0x10c: {  	[sflag:s6] =	ssyncset.done $0x0  }
0x10d: {  	[sflag:s6] =	ssyncadd.s32 $0xFFFFC000  }
0x10e: {  	[spmem:s2] =	stream.indirect.scatter.add.f32 [tilespmem:s5], [sflag:$0x4], $0x80, s10, s0, $0xb8;
	[tilespmem:$0x1F000] =	vst v63  }
0x10f: {  	_ =	swait.ge [sflag:s29], $0x4000  }
0x110: {  	[sflag:s29] =	ssyncset.done $0x0  }
0x111: {  	[sflag:s29] =	ssyncadd.s32 $0xFFFFC000  }
0x112: {  	s12 =	stileid.u32;
	[bflag:$0x0] =	sbarrier.arrive $0xFFFF  }
0x113: {  	s12 =	sshll.u32 s12, $0x6;
	s13 =	rddreg [dreg:$0x9]  }
0x114: {  	s12 =	sor.u32 $0x1C04, s12;
	s14 =	rddreg [dreg:$0x17]  }
0x115: {  	[hbm:s13], [sflag:s12] =	dma.local [spmem:s14], $0x2800  }
0x116: {  	_ =	swait.ge [sflag:s29], $0x2800  }
0x117: {  	s11 =	sadd.s32 $0x1, s11;
	s14 =	rddreg [dreg:$0xa]  }
0x118: {  	p0 =	sne.s32 s11, s14  }
.Ltmp3:
0x119: {  	_ = 	snop;
	(pc) =	sbr.rel @p0 .LBB2_1-.Ltmp3, $3  }
0x11a: {  	_ =	sdelay $0x1  }
0x11b: {  	[sflag:s29] =	ssyncset.done $0x0  }
0x11c: {  	[sflag:s29] =	ssyncadd.s32 $0xFFFFD800  }
0x11d: {  	_ =	sfence.sel $0x180000  }
0x11e: {  	[bflag:$0x0] =	sbarrier.arrive $0xFFFF  }
0x11f: {  	_ =	strace $0x9000004D  }
0x120: {  	s0 =	stileid.u32;
	[bflag:$0x2] =	sbarrier.arrive $0xFFFF  }
0x121: {  	p0 =	sne.s32 s0, $0x0;
	s0 =	rddreg [dreg:$0x3]  }
0x122: {  	s0 =	sadd.s32 @!p0 $0x100000, s0  }
0x123: {  	[sflag:s0] =	ssyncadd.tile.s32 @!p0 $0x1;
	_ =	shalt  }
.Lfunc_end2:
_tile_overlayer_lowered:
.L_overlay_start_2:
0x124: {  	(tag) =	ssettag $0x2  }
0x125: {  	s0 =	rddreg [dreg:$0x0];
	s2 =	stileid.u32  }
0x126: {  	s1 =	rddreg [dreg:$0x1];
	p0 =	sne.s32 s2, $0x0  }
0x127: {  	s3 =	rddreg [dreg:$0x2];
	[bflag:$0x3] =	sbarrier.arrive $0xFFFF;
	s2 =	simm.s32 @!p0 $0x1C04  }
0x128: {  	[timem:s3], [sflag:s2] =	dma.local @!p0 [hbm:s0], s1  }
0x129: {  	s0 =	simm.s32 @!p0 $0x4  }
0x12a: {  	_ =	swait.ge @!p0 [sflag:s0], s1  }
0x12b: {  	s1 =	ssub.s32 @!p0 $0x0, s1;
	[sflag:s0] =	ssyncset.done @!p0 $0x0  }
0x12c: {  	[sflag:s0] =	ssyncadd.s32 @!p0 s1  }
0x12d: {  	[bflag:$0x3] =	sbarrier.arrive $0xFFFF  }
0x12e: {  	_ =	shalt  }

// kernel: kernel.8.cloned.1.call-start
scs
__scs_entry_jumppad:
0x0: {  	(pc) =	sbr.rel $0x88, $3  }
0x1: {  	(tag) =	ssettag $0x0;
	lr =	simm.s32 $0x1  }
0x2: {  	[smem:$0x3F9B] =	sst lr;
	_ =	strace $0xD0000000  }
0x3: {  	_ = 	snop  }
0x4: {  	_ = 	snop  }
0x5: {  	_ = 	snop  }
0x6: {  	_ = 	snop  }
0x7: {  	_ = 	snop  }
__scs_overlays_trampoline_lowered:
0x8: {  	[smem:$0x3FAA] =	sst s0  }
0x9: {  	[smem:$0x3FAB] =	sst s1  }
0xa: {  	[smem:$0x3FAC] =	sst s2  }
0xb: {  	[smem:$0x3FAD] =	sst s3  }
0xc: {  	[smem:$0x3FAE] =	sst s4  }
0xd: {  	[smem:$0x3FAF] =	sst s5  }
0xe: {  	[smem:$0x3FB0] =	sst s6  }
0xf: {  	[smem:$0x3FB1] =	sst s7  }
0x10: {  	[smem:$0x3FB2] =	sst s8  }
0x11: {  	[smem:$0x3FB3] =	sst s9;
	s0 =	simm.s32 @!p0 $0x0  }
0x12: {  	s1 =	sld [smem:$0x3F99];
	s0 =	simm.s32 @p0 $0x1  }
0x13: {  	[smem:$0x3FB4] =	sst s0;
	s0 =	simm.s32 @!p1 $0x0  }
0x14: {  	s2 =	sld [smem:$0x3F98];
	s0 =	simm.s32 @p1 $0x1  }
0x15: {  	[smem:$0x3FB5] =	sst s0;
	s0 =	simm.s32 @!p2 $0x0  }
0x16: {  	s3 =	sld [smem:$0x3FDB];
	s0 =	simm.s32 @p2 $0x1  }
0x17: {  	s4 =	simm.s32 $0x1BF5;
	[smem:$0x3FB7] =	sst s0  }
0x18: {  	s0 =	sld [smem:$0x3F9A];
	_ =	swait.ge [sflag:s4], $0x0  }
0x19: {  	s7 =	sld [smem:$0x3F9B]  }
0x1a: {  	s8 =	sadd.s32 $0xFFFFE003, lr  }
0x1b: {  	s9 =	sadd.s32 $0xFFFFFEF7, lr;
	s5 =	simm.s32 $0xFFFFFFFF;
	p2 =	slt.u32 s8, $0xFFFFF086  }
0x1c: {  	p1 =	slt.u32 s9, $0xF7A;
	s5 =	simm.s32 @!p2 $0x0  }
0x1d: {  	s5 =	simm.s32 @p1 $0x1;
	p0 =	seq.s32 s7, s2  }
0x1e: {  	s7 =	smul.u32 @!p0 $0xF7A, s2;
	p2 =	seq.s32 @!p0 s5, $0x0  }
0x1f: {  	s9 =	smul.u32 $0xF7A, s1;
	s8 =	simm.s32 @!p0 $0x1BF5;
	p2 =	por !p2, p0  }
0x20: {  	[sflag:s8] =	ssyncset.s32 @!p0 $0xFFFFF086;
	s6 =	sadd.s32 @!p0 s3, s7;
	s7 =	simm.s32 @!p0 $0x108  }
0x21: {  	s3 =	sadd.s32 s3, s9;
	s6 =	sadd.s32 @!p0 $0x88, s6;
	s7 =	simm.s32 @p2 $0x1082  }
0x22: {  	[simem:s7], [sflag:s8] =	dma.local @!p0 [hbm:s6], $0xF7A  }
0x23: {  	s9 =	sor.u32 $0xD0000000, s2;
	s6 =	simm.s32 $0x108;
	_ =	swait.ge @!p0 [sflag:s8], $0x0  }
0x24: {  	s3 =	sadd.s32 $0x88, s3;
	s6 =	simm.s32 @!p1 $0x1082;
	[sflag:s4] =	ssyncset.s32 $0xFFFFF086  }
0x25: {  	[simem:s6], [sflag:s4] =	dma.local [hbm:s3], $0xF7A  }
0x26: {  	[smem:$0x3F9B] =	sst s1;
	(tag) =	ssettag s2;
	_ =	strace s9  }
0x27: {  	s1 =	sld [smem:$0x3FAB]  }
0x28: {  	s2 =	sld [smem:$0x3FAC]  }
0x29: {  	s4 =	sld [smem:$0x3FAE]  }
0x2a: {  	p0 =	seq.s32 s5, $0x0;
	s5 =	sld [smem:$0x3FAF]  }
0x2b: {  	s6 =	sld [smem:$0x3FB0]  }
0x2c: {  	s7 =	sld [smem:$0x3FB1]  }
0x2d: {  	s3 =	simm.s32 $0x108;
	s8 =	sld [smem:$0x3FB2]  }
0x2e: {  	s3 =	simm.s32 @!p0 $0x1082;
	s9 =	sld [smem:$0x3FB3]  }
0x2f: {  	lr =	sadd.s32 s0, s3;
	s0 =	sld [smem:$0x3FAA]  }
0x30: {  	s3 =	sld [smem:$0x3FAD]  }
0x31: {  	[smem:$0x3FB6] =	sst s10  }
0x32: {  	s10 =	sld [smem:$0x3FB4];
	_ =	sdelay $0x3  }
0x33: {  	p0 =	seq.s32 s10, $0x1;
	s10 =	sld [smem:$0x3FB6];
	_ =	sdelay $0x3  }
0x34: {  	[smem:$0x3FB6] =	sst s10  }
0x35: {  	s10 =	sld [smem:$0x3FB5];
	_ =	sdelay $0x3  }
0x36: {  	p1 =	seq.s32 s10, $0x1;
	s10 =	sld [smem:$0x3FB6];
	_ =	sdelay $0x3  }
0x37: {  	[smem:$0x3FB6] =	sst s10  }
0x38: {  	s10 =	sld [smem:$0x3FB7]  }
0x39: {  	_ = 	snop;
	(pc) =	sbr.ind lr, $3  }
0x3a: {  	_ = 	snop  }
0x3b: {  	_ = 	snop  }
0x3c: {  	p2 =	seq.s32 s10, $0x1;
	s10 =	sld [smem:$0x3FB6]  }
0x3d: {  	_ =	shalt  }
0x3e: {  	_ =	shalt  }
0x3f: {  	_ =	shalt  }
0x40: {  	_ =	shalt  }
0x41: {  	_ =	shalt  }
0x42: {  	_ =	shalt  }
0x43: {  	_ =	shalt  }
0x44: {  	_ =	shalt  }
0x45: {  	_ =	shalt  }
0x46: {  	_ =	shalt  }
0x47: {  	_ =	shalt  }
0x48: {  	_ =	shalt  }
0x49: {  	_ =	shalt  }
0x4a: {  	_ =	shalt  }
0x4b: {  	_ =	shalt  }
0x4c: {  	_ =	shalt  }
0x4d: {  	_ =	shalt  }
0x4e: {  	_ =	shalt  }
0x4f: {  	_ =	shalt  }
0x50: {  	_ =	shalt  }
0x51: {  	_ =	shalt  }
0x52: {  	_ =	shalt  }
0x53: {  	_ =	shalt  }
0x54: {  	_ =	shalt  }
0x55: {  	_ =	shalt  }
0x56: {  	_ =	shalt  }
0x57: {  	_ =	shalt  }
0x58: {  	_ =	shalt  }
0x59: {  	_ =	shalt  }
0x5a: {  	_ =	shalt  }
0x5b: {  	_ =	shalt  }
0x5c: {  	_ =	shalt  }
0x5d: {  	_ =	shalt  }
0x5e: {  	_ =	shalt  }
0x5f: {  	_ =	shalt  }
0x60: {  	_ =	shalt  }
0x61: {  	_ =	shalt  }
0x62: {  	_ =	shalt  }
0x63: {  	_ =	shalt  }
0x64: {  	_ =	shalt  }
0x65: {  	_ =	shalt  }
0x66: {  	_ =	shalt  }
0x67: {  	_ =	shalt  }
0x68: {  	_ =	shalt  }
0x69: {  	_ =	shalt  }
0x6a: {  	_ =	shalt  }
0x6b: {  	_ =	shalt  }
0x6c: {  	_ =	shalt  }
0x6d: {  	_ =	shalt  }
0x6e: {  	_ =	shalt  }
0x6f: {  	_ =	shalt  }
0x70: {  	_ =	shalt  }
0x71: {  	_ =	shalt  }
0x72: {  	_ =	shalt  }
0x73: {  	_ =	shalt  }
0x74: {  	_ =	shalt  }
0x75: {  	_ =	shalt  }
0x76: {  	_ =	shalt  }
0x77: {  	_ =	shalt  }
0x78: {  	_ =	shalt  }
0x79: {  	_ =	shalt  }
0x7a: {  	_ =	shalt  }
0x7b: {  	_ =	shalt  }
0x7c: {  	_ =	shalt  }
0x7d: {  	_ =	shalt  }
0x7e: {  	_ =	shalt  }
0x7f: {  	_ =	shalt  }
0x80: {  	_ =	shalt  }
0x81: {  	_ =	shalt  }
0x82: {  	_ =	shalt  }
0x83: {  	_ =	shalt  }
0x84: {  	_ =	shalt  }
0x85: {  	_ =	shalt  }
0x86: {  	_ =	shalt  }
0x87: {  	_ =	shalt  }
.Lfunc_end0:
.L_simem_size_0:
called_computation_lowered:
.L_overlay_start_0:
0x88: {  	s2 =	sld [smem:$0x3FD9]  }
0x89: {  	s3 =	sld [smem:$0x3FFE];
	_ =	sdelay $0x1  }
0x8a: {  	s1 =	srdreg.scid  }
0x8b: {  	s0 =	sand.u32 $0x1, s1  }
0x8c: {  	s17 =	sshll.u32 s0, $0xA;
	s2 =	sadd.s32 s3, s2  }
0x8d: {  	s2 =	sadd.s32 s2, s17  }
0x8e: {  	[smem:$0x3FC2] =	sst s2  }
0x8f: {  	_ = 	snop  }
0x90: {  	s2 =	sld [smem:$0x3FD0];
	(tm) =	ssettm $0x1  }
0x91: {  	s18 =	sld [smem:$0x3FFB];
	_ =	sdelay $0x3  }
0x92: {  	_ =	strace s18  }
0x93: {  	s3 =	sld [smem:$0x3FFC];
	_ =	sdelay $0x3  }
0x94: {  	_ =	strace s3  }
0x95: {  	s3 =	sld [smem:$0x3FFD];
	_ =	sdelay $0x3  }
0x96: {  	_ =	strace s3  }
0x97: {  	_ =	strace $0x8FFFFFFF  }
0x98: {  	s19 =	sld [smem:$0x3FDB];
	_ =	sdelay $0x1  }
0x99: {  	s4 =	simm.s32 $_scs_section_size  }
0x9a: {  	s5 =	simm.s32 $_size__tile_overlayer_lowered;
	s6 =	simm.s32 $_tile_overlayer_lowered  }
0x9b: {  	s22 =	simm.s32 $0x1BFF;
	s21 =	sshll.u32 s6, $0x1;
	s3 =	sadd.s32 s4, s19  }
0x9c: {  	s7 =	simm.s32 $0x0;
	s20 =	sshll.u32 s5, $0x1;
	s5 =	sadd.s32 s21, s3  }
0x9d: {  	[timem:s7], [sflag:s22] =	dma.local [hbm:s5], s20  }
0x9e: {  	_ =	swait.ge [sflag:s22], s20  }
0x9f: {  	s4 =	ssub.s32 $0x0, s20;
	[sflag:s22] =	ssyncset.done $0x0  }
0xa0: {  	[sflag:s22] =	ssyncadd.s32 s4;
	_ =	sdelay $0x1  }
0xa1: {  	s23 =	simm.s32 $0x1B8B  }
0xa2: {  	_ =	swait.ge [sflag:s23], $0x1  }
0xa3: {  	[sflag:s23] =	ssyncset.done $0x0  }
0xa4: {  	s25 =	simm.s32 $0x1B8E;
	s24 =	sld [smem:$0x3FFE];
	[sflag:s23] =	ssyncadd.s32 $0xFFFFFFFF  }
0xa5: {  	s26 =	simm.s32 $execute0_lowered;
	[smem:$0x3FD2] =	sst s25  }
0xa6: {  	s5 =	sshll.u32 s26, $0x1;
	_ =	strace $0x80000046;
	[dreg:$0x1] =	wrdreg $0xFFFFFFFF  }
0xa7: {  	s28 =	simm.s32 $_size_execute0_lowered;
	s3 =	sadd.s32 s3, s5;
	[dreg:$0x0] =	wrdreg $0x0  }
0xa8: {  	s5 =	sshll.u32 s28, $0x1;
	[dreg:$0x2] =	wrdreg s3  }
0xa9: {  	[dreg:$0x3] =	wrdreg s5  }
0xaa: {  	[dreg:$0x4] =	wrdreg $0xC0  }
0xab: {  	_ =	task [dreg:s7], $0x5FFFF  }
0xac: {  	[dreg:$0x1] =	wrdreg $0xFFFFFFFF  }
0xad: {  	[dreg:$0x0] =	wrdreg $0x60  }
0xae: {  	[dreg:$0x2] =	wrdreg s24  }
0xaf: {  	[dreg:$0x3] =	wrdreg s2  }
0xb0: {  	[dreg:$0x4] =	wrdreg $0x2B000  }
0xb1: {  	[dreg:$0x5] =	wrdreg $0x9  }
0xb2: {  	_ =	task.clear_ibuf [dreg:s7], $0x6FFFF;
	_ =	strace $0x90000046  }
0xb3: {  	s29 =	simm.s32 $0x9;
	_ =	strace $0x80000048  }
0xb4: {  	_ =	swait.ge [sflag:s29], $0x1  }
0xb5: {  	[sflag:s29] =	ssyncadd.s32 $0xFFFFFFFF  }
0xb6: {  	_ =	strace $0x90000048  }
0xb7: {  	_ =	sfence  }
0xb8: {  	s30 =	sld [smem:$0x0];
	_ =	sdelay $0x2  }
0xb9: {  	s31 =	sshll.u32 s1, $0xD;
	s1 =	sshrl.u32 s1, $0x2  }
0xba: {  	s3 =	sand.u32 $0x4000, s31;
	s1 =	sadd.s32 s1, s30  }
0xbb: {  	s0 =	sor.u32 s3, s0;
	s1 =	sshll.u32 s1, $0x11  }
0xbc: {  	s0 =	sor.u32 s1, s0  }
0xbd: {  	s0 =	sadd.s32 $0x8F2B, s0  }
0xbe: {  	[sflag:s0] =	ssyncadd.remote.s32 $0x1  }
0xbf: {  	_ =	sfence.sel $0xFFFF  }
0xc0: {  	[dreg:$0x0] =	wrdreg $0xFFFFFFFF;
	(pc) =	sbr.abs _section_cstart, $3  }
0xc1: {  	[dreg:$0x1] =	wrdreg $0xFFFFFFFF  }
0xc2: {  	_ =	task.clear_ibuf [dreg:s7], $0x2FFFF;
	_ =	strace $0x9FFFFFFF  }
0xc3: {  	(tm) =	ssettm $0x7FFFFFFF  }
tec
execute0_lowered:
.L_overlay_start_1:
0x0: {  	(tag) =	ssettag $0x1  }
0x1: {  	s5 =	rddreg [dreg:$0x0];
	s1 =	srdreg.scid  }
0x2: {  	s0 =	stileid.u32;
	s8 =	rddreg [dreg:$0x1]  }
0x3: {  	s2 =	rddreg [dreg:$0x2];
	s3 =	simm.s32 $0x0;
	s12 =	simm.s32 $0x2880  }
0x4: {  	s13 =	simm.s32 $0x1;
	s14 =	simm.s32 $0x80;
	s15 =	simm.s32 $0x2  }
0x5: {  	s18 =	simm.s32 $0x0;
	s4 =	sand.u32 $0x1, s1;
	s1 =	rddreg [dreg:$0x3]  }
0x6: {  	s31 =	sshll.u32 s0, $0x1;
	[smem:$0x7FF] =	sst s3;
	s7 =	smul.u32 $0x280, s0  }
0x7: {  	s16 =	sshll.u32 s0, $0x6;
	s6 =	sor.u32 s4, s31;
	_ =	strace $0x80000047  }
0x8: {  	s9 =	ssub.s32 $0x2, s4;
	s10 =	smul.u32 $0x2800, s4;
	s4 =	sadd.s32 $0x16C00, s5  }
0x9: {  	s16 =	sor.u32 $0x1C03, s16;
	s6 =	smul.u32 $0x500, s6;
	s11 =	sshrl.u32 s9, $0x1  }
0xa: {  	s9 =	ssub.s32 s9, s11;
	s10 =	sadd.s32 s7, s10;
	s7 =	sadd.s32 s7, s2  }
0xb: {  	s11 =	simm.s32 $0x3;
	s6 =	sadd.s32 s6, s5;
	s5 =	sadd.s32 $0x16E00, s5  }
0xc: {  	s10 =	sshrl.u32 s10, $0x3;
	s9 =	smax.u32 s9, $0x1;
	s17 =	sshrl.u32 s7, $0x3  }
0xd: {  	s6 =	sadd.s32 $0x2C00, s6;
	s8 =	sadd.s32 s8, s10;
	s10 =	simm.s32 $0x2800  }
.LBB2_1:
0xe: {  	[tilespmem:s3], [sflag:$0x1] =	stream.linear.gather [hbm4b:s6+s3], $0x2800, $0x38;
	[tilespmem:$0x2D80] =	vst v63  }
0xf: {  	_ = 	snop  }
0x10: {  	[tilespmem:s10], [sflag:$0x3] =	stream.linear.gather [hbm4b:s4+s3], $0x80, $0x38;
	[tilespmem:$0x2D80] =	vst v63  }
0x11: {  	_ =	swait.ge [sflag:s11], $0x80  }
0x12: {  	[sflag:s11] =	ssyncset.done $0x0  }
0x13: {  	[sflag:s11] =	ssyncadd.s32 $0xFFFFFF80  }
0x14: {  	[tilespmem:s12], [sflag:$0x3] =	stream.linear.gather [hbm4b:s5+s3], $0x280, $0x38;
	[tilespmem:$0x2D80] =	vst v63  }
0x15: {  	_ =	swait.ge [sflag:s11], $0x280  }
0x16: {  	[sflag:s11] =	ssyncset.done $0x0  }
0x17: {  	[sflag:s11] =	ssyncadd.s32 $0xFFFFFD80  }
0x18: {  	[spmem:s7] =	stream.linear.scatter [tilespmem:s12], [sflag:$0x3], $0x280, $0x38;
	[tilespmem:$0x2D80] =	vst v63  }
0x19: {  	_ =	swait.ge [sflag:s11], $0x280  }
0x1a: {  	[sflag:s11] =	ssyncset.done $0x0  }
0x1b: {  	[sflag:s11] =	ssyncadd.s32 $0xFFFFFD80  }
0x1c: {  	_ =	swait.ge [sflag:s13], $0x2800  }
0x1d: {  	[sflag:s13] =	ssyncset.done $0x0  }
0x1e: {  	[sflag:s13] =	ssyncadd.s32 $0xFFFFD800  }
0x1f: {  	s19 =	simm.s32 $0x0;
	[bflag:$0x0] =	sbarrier.arrive $0xFFFF  }
.LBB2_2:
0x20: {  	p0 =	sne.s32 s19, $0x9E00  }
.Ltmp0:
0x21: {  	_ = 	snop;
	(pc) =	sbr.rel @p0 .LBB2_2-.Ltmp0, $3  }
0x22: {  	_ =	sdelay $0x1  }
0x23: {  	s20 =	sshra.s32 s19, $0x2;
	s19 =	sadd.s32 $0x200, s19  }
0x24: {  	[spmem:s2] =	stream.indirect.scatter.add.f32 [tilespmem:s10], [sflag:$0x2], $0x1, s20, s14, $0xb8;
	[tilespmem:$0x2D80] =	vst v63  }
0x25: {  	_ =	swait.ge [sflag:s15], $0x80  }
0x26: {  	s19 =	simm.s32 $0x4F;
	[sflag:s15] =	ssyncset.done $0x0  }
.LBB2_4:
0x27: {  	p0 =	sne.s32 s19, $0x1;
	s19 =	sadd.s32 $0xFFFFFFFF, s19;
	[sflag:s15] =	ssyncadd.s32 $0xFFFFFF80  }
.Ltmp1:
0x28: {  	(pc) =	sbr.rel @p0 .LBB2_4-.Ltmp1, $3  }
0x29: {  	_ =	sdelay $0x1  }
0x2a: {  	_ =	swait.ge [sflag:s15], $0x80  }
0x2b: {  	[sflag:s15] =	ssyncset.done $0x0  }
0x2c: {  	s18 =	sadd.s32 $0x1, s18  }
0x2d: {  	[sflag:s15] =	ssyncadd.s32 $0xFFFFFF80;
	p0 =	sne.s32 s18, s9  }
.Ltmp2:
0x2e: {  	[bflag:$0x0] =	sbarrier.arrive $0xFFFF;
	(pc) =	sbr.rel @p0 .LBB2_1-.Ltmp2, $4  }
0x2f: {  	[hbm:s8], [sflag:s16] =	dma.local [spmem:s17], $0x50  }
0x30: {  	_ =	swait.ge [sflag:s11], $0x50  }
0x31: {  	[sflag:s11] =	ssyncset.done $0x0  }
0x32: {  	[sflag:s11] =	ssyncadd.s32 $0xFFFFFFB0  }
0x33: {  	_ =	sfence.sel $0x180000  }
0x34: {  	[bflag:$0x0] =	sbarrier.arrive $0xFFFF  }
0x35: {  	p0 =	sne.s32 s0, $0x0;
	_ =	strace $0x90000047  }
0x36: {  	s0 =	sadd.s32 @!p0 $0x100000, s1;
	[bflag:$0x2] =	sbarrier.arrive $0xFFFF  }
0x37: {  	[sflag:s0] =	ssyncadd.tile.s32 @!p0 $0x1;
	_ =	shalt  }
.Lfunc_end2:
_tile_overlayer_lowered:
.L_overlay_start_2:
0x38: {  	(tag) =	ssettag $0x2  }
0x39: {  	s0 =	rddreg [dreg:$0x0];
	s2 =	stileid.u32  }
0x3a: {  	s1 =	rddreg [dreg:$0x1];
	p0 =	sne.s32 s2, $0x0  }
0x3b: {  	s3 =	rddreg [dreg:$0x2];
	[bflag:$0x3] =	sbarrier.arrive $0xFFFF;
	s2 =	simm.s32 @!p0 $0x1C03  }
0x3c: {  	[timem:s3], [sflag:s2] =	dma.local @!p0 [hbm:s0], s1  }
0x3d: {  	s0 =	simm.s32 @!p0 $0x3  }
0x3e: {  	_ =	swait.ge @!p0 [sflag:s0], s1  }
0x3f: {  	s1 =	ssub.s32 @!p0 $0x0, s1;
	[sflag:s0] =	ssyncset.done @!p0 $0x0  }
0x40: {  	[sflag:s0] =	ssyncadd.s32 @!p0 s1  }
0x41: {  	[bflag:$0x3] =	sbarrier.arrive $0xFFFF  }
0x42: {  	_ =	shalt  }

</sc_bundles>
